<compile_context>
chip_gen: v7x
topology: tpu7x:2x2x1
jax: 0.10.2.dev20260603
libtpu: 0.0.44.dev20260713+nightly
codegen_flags: <defaults>
</compile_context>

<pallas_src>
import functools

import jax
import jax.numpy as jnp
from jax import lax
from jax.experimental import pallas as pl
from jax.experimental.pallas import tpu as pltpu
from jax.experimental.pallas import tpu_sc as plsc

N = 10000
D = 128
E = 320000
NC = 2
NS = 16
K = 128
NW = NC * NS
CPT = -(-E // (NW * K))
E_PAD = NW * K * CPT
TRASH = N
NACC = 10240
ROWS_PER_TILE = NACC // NS

_mesh = plsc.VectorSubcoreMesh(core_axis_name="c", subcore_axis_name="s")



def _deg_body(dst_hbm, out_hbm, didx0, didx1, ones_v, zbuf, deg_sh, sem):
    c = lax.axis_index("c")
    s = lax.axis_index("s")
    zv = jnp.zeros((16,), jnp.float32)
    ov = jnp.ones((16,), jnp.float32)
    for j in range(K // 16):
        ones_v[pl.ds(j * 16, 16)] = ov

    def zb(i, carry):
        zbuf[pl.ds(i * 16, 16)] = zv
        return carry

    lax.fori_loop(0, ROWS_PER_TILE // 16, zb, 0)
    pltpu.sync_copy(zbuf, deg_sh.at[pl.ds(s * ROWS_PER_TILE, ROWS_PER_TILE)])
    plsc.subcore_barrier()

    base = (c * NS + s) * CPT

    def wait_idx(buf):
        pltpu.make_async_copy(dst_hbm.at[pl.ds(0, K)], buf, sem).wait()

    pltpu.async_copy(dst_hbm.at[pl.ds(base * K, K)], didx0, sem)

    def body(g, carry):
        e1 = (base + 2 * g + 1) * K
        wait_idx(didx0)
        pltpu.async_copy(dst_hbm.at[pl.ds(e1, K)], didx1, sem)
        pltpu.sync_copy(ones_v, deg_sh.at[didx0], add=True)
        wait_idx(didx1)
        pltpu.async_copy(dst_hbm.at[pl.ds(e1 + K, K)], didx0, sem)
        pltpu.sync_copy(ones_v, deg_sh.at[didx1], add=True)
        return carry

    lax.fori_loop(0, (CPT - 1) // 2, body, 0)
    wait_idx(didx0)
    pltpu.sync_copy(ones_v, deg_sh.at[didx0], add=True)
    plsc.subcore_barrier()
    pltpu.sync_copy(deg_sh.at[pl.ds(s * ROWS_PER_TILE, ROWS_PER_TILE)],
                    out_hbm.at[c, pl.ds(s * ROWS_PER_TILE, ROWS_PER_TILE)])


_deg_call = functools.partial(
    pl.kernel,
    out_type=jax.ShapeDtypeStruct((NC, NACC), jnp.float32),
    mesh=_mesh,
    scratch_types=[
        pltpu.VMEM((K,), jnp.int32),
        pltpu.VMEM((K,), jnp.int32),
        pltpu.VMEM((K,), jnp.float32),
        pltpu.VMEM((ROWS_PER_TILE,), jnp.float32),
        pltpu.VMEM_SHARED((NACC,), jnp.float32),
        pltpu.SemaphoreType.DMA,
    ],
)(_deg_body)



def _edge_body(y_hbm, src_hbm, dst_hbm, out_hbm, s0, s1, d0, d1,
               rows0, rows1, acc_sh, sem, dsem):
    c = lax.axis_index("c")
    s = lax.axis_index("s")
    zv = jnp.zeros((16,), jnp.float32)

    def zero_rows(r, carry):
        for j in range(D // 16):
            rows0[r, pl.ds(j * 16, 16)] = zv
        return carry

    lax.fori_loop(0, K, zero_rows, 0)
    for i in range(ROWS_PER_TILE // K):
        pltpu.sync_copy(rows0, acc_sh.at[pl.ds(s * ROWS_PER_TILE + i * K, K)])
    plsc.subcore_barrier()

    base = (c * NS + s) * CPT

    def wait_gather(buf):
        pltpu.make_async_copy(y_hbm.at[s0], buf, sem).wait()

    def wait_didx(buf):
        pltpu.make_async_copy(dst_hbm.at[pl.ds(0, K)], buf, dsem).wait()

    pltpu.sync_copy(src_hbm.at[pl.ds(base * K, K)], s0)
    pltpu.async_copy(y_hbm.at[s0], rows0, sem)
    pltpu.async_copy(dst_hbm.at[pl.ds(base * K, K)], d0, dsem)

    def body(g, carry):
        e1 = (base + 2 * g + 1) * K
        pltpu.sync_copy(src_hbm.at[pl.ds(e1, K)], s1)
        wait_gather(rows0)
        pltpu.async_copy(y_hbm.at[s1], rows1, sem)
        pltpu.async_copy(dst_hbm.at[pl.ds(e1, K)], d1, dsem)
        wait_didx(d0)
        pltpu.sync_copy(rows0, acc_sh.at[d0], add=True)
        e2 = (base + 2 * g + 2) * K
        pltpu.sync_copy(src_hbm.at[pl.ds(e2, K)], s0)
        wait_gather(rows1)
        pltpu.async_copy(y_hbm.at[s0], rows0, sem)
        pltpu.async_copy(dst_hbm.at[pl.ds(e2, K)], d0, dsem)
        wait_didx(d1)
        pltpu.sync_copy(rows1, acc_sh.at[d1], add=True)
        return carry

    lax.fori_loop(0, (CPT - 1) // 2, body, 0)
    wait_gather(rows0)
    wait_didx(d0)
    pltpu.sync_copy(rows0, acc_sh.at[d0], add=True)
    plsc.subcore_barrier()
    pltpu.sync_copy(acc_sh.at[pl.ds(s * ROWS_PER_TILE, ROWS_PER_TILE)],
                    out_hbm.at[c, pl.ds(s * ROWS_PER_TILE, ROWS_PER_TILE)])


_edge_call = functools.partial(
    pl.kernel,
    out_type=jax.ShapeDtypeStruct((NC, NACC, D), jnp.float32),
    mesh=_mesh,
    scratch_types=[
        pltpu.VMEM((K,), jnp.int32),
        pltpu.VMEM((K,), jnp.int32),
        pltpu.VMEM((K,), jnp.int32),
        pltpu.VMEM((K,), jnp.int32),
        pltpu.VMEM((K, D), jnp.float32),
        pltpu.VMEM((K, D), jnp.float32),
        pltpu.VMEM_SHARED((NACC, D), jnp.float32),
        pltpu.SemaphoreType.DMA,
        pltpu.SemaphoreType.DMA,
    ],
)(_edge_body)



R = 1000


def _dinv(d0, d1):
    return lax.rsqrt(jnp.maximum(d0 + d1 + 1.0, 1e-12))


def _mm_scale_body(x_ref, w_ref, d0_ref, d1_ref, o_ref):
    d = _dinv(d0_ref[...], d1_ref[...])
    o_ref[...] = jnp.dot(x_ref[...], w_ref[...],
                         preferred_element_type=jnp.float32) * d


def _fuse_body(a0_ref, a1_ref, y1_ref, d0_ref, d1_ref, w_ref, b_ref, o_ref):
    d = _dinv(d0_ref[...], d1_ref[...])
    h = d * (a0_ref[...] + a1_ref[...] + y1_ref[...]) + b_ref[...]
    h = jnp.maximum(h, 0.0)
    o_ref[...] = jnp.dot(h, w_ref[...],
                         preferred_element_type=jnp.float32) * d


def _final_body(a0_ref, a1_ref, y2_ref, d0_ref, d1_ref, b_ref, o_ref):
    d = _dinv(d0_ref[...], d1_ref[...])
    o_ref[...] = d * (a0_ref[...] + a1_ref[...] + y2_ref[...]) + b_ref[...]


_row_spec = pl.BlockSpec((R, D), lambda i: (i, 0))
_deg_spec = pl.BlockSpec((R, 1), lambda i: (i, 0))
_full_spec = pl.BlockSpec((D, D), lambda i: (0, 0))
_bias_spec = pl.BlockSpec((1, D), lambda i: (0, 0))
_out_struct = jax.ShapeDtypeStruct((N, D), jnp.float32)

_mm_scale = pl.pallas_call(
    _mm_scale_body,
    grid=(N // R,),
    in_specs=[_row_spec, _full_spec, _deg_spec, _deg_spec],
    out_specs=_row_spec,
    out_shape=_out_struct,
)

_fuse = pl.pallas_call(
    _fuse_body,
    grid=(N // R,),
    in_specs=[_row_spec, _row_spec, _row_spec, _deg_spec, _deg_spec,
              _full_spec, _bias_spec],
    out_specs=_row_spec,
    out_shape=_out_struct,
)

_final = pl.pallas_call(
    _final_body,
    grid=(N // R,),
    in_specs=[_row_spec, _row_spec, _row_spec, _deg_spec, _deg_spec,
              _bias_spec],
    out_specs=_row_spec,
    out_shape=_out_struct,
)


def kernel(x, edge_index, batch, W1, b1, W2, b2):
    src = edge_index[0].astype(jnp.int32)
    dst = edge_index[1].astype(jnp.int32)
    pad = E_PAD - E
    src_p = jnp.concatenate([src, jnp.zeros((pad,), jnp.int32)])
    dst_p = jnp.concatenate([dst, jnp.full((pad,), TRASH, jnp.int32)])

    deg_part = _deg_call(dst_p)
    deg0 = deg_part[0, :N].reshape(N, 1)
    deg1 = deg_part[1, :N].reshape(N, 1)

    y1 = _mm_scale(x, W1, deg0, deg1)
    acc1 = _edge_call(y1, src_p, dst_p)
    y2 = _fuse(acc1[0, :N], acc1[1, :N], y1, deg0, deg1, W2, b1.reshape(1, D))
    acc2 = _edge_call(y2, src_p, dst_p)
    out = _final(acc2[0, :N], acc2[1, :N], y2, deg0, deg1, b2.reshape(1, D))
    return (out, batch)

# --- scband reference (transcript-rebuilt; emitter-appended) ---
"""Pipeline reference for scband-gcnmodule-10788957848201 (READ-ONLY COPY).

The authoritative reference and input builder live on the scoring server;
editing this copy changes nothing except your own understanding.
"""

import jax, jax.numpy as jnp
import numpy as np

N_NODES = 10000
N_EDGES = 320000
D = 128


def gcn_conv(x, src, dst, W, b):
    N = x.shape[0]
    loop = jnp.arange(N, dtype=src.dtype)
    src2 = jnp.concatenate([src, loop])
    dst2 = jnp.concatenate([dst, loop])
    deg = jnp.zeros((N,), dtype=x.dtype).at[dst2].add(1.0)
    dinv = jax.lax.rsqrt(jnp.maximum(deg, 1e-12))
    norm = dinv[src2] * dinv[dst2]
    xw = x @ W
    msg = xw[src2] * norm[:, None]
    out = jnp.zeros((N, W.shape[1]), dtype=x.dtype).at[dst2].add(msg)
    return out + b


def setup_inputs(seed: int = 0) -> dict:
    key = jax.random.key(seed)
    k1, k2, k3, k4, k5, k6, k7 = jax.random.split(key, 7)
    x = jax.random.normal(k1, (N_NODES, D), dtype=jnp.float32)
    edge_index = jax.random.randint(k2, (2, N_EDGES), 0, N_NODES, dtype=jnp.int64)
    batch = jnp.sort(jax.random.randint(k3, (N_NODES,), 0, 64, dtype=jnp.int64))
    s = 1.0 / np.sqrt(D)
    W1 = jax.random.normal(k4, (D, D), dtype=jnp.float32) * s
    b1 = jnp.zeros((D,), dtype=jnp.float32)
    W2 = jax.random.normal(k5, (D, D), dtype=jnp.float32) * s
    b2 = jnp.zeros((D,), dtype=jnp.float32)
    return {"x": x, "edge_index": edge_index, "batch": batch, "W1": W1, "b1": b1, "W2": W2, "b2": b2}


def reference(x, edge_index, batch, W1, b1, W2, b2):
    src, dst = edge_index[0], edge_index[1]
    h = gcn_conv(x, src, dst, W1, b1)
    h = jax.nn.relu(h)
    # dropout is identity in eval mode
    out = gcn_conv(h, src, dst, W2, b2)
    return (out, batch)

if __name__ == "__main__":
    import jax
    _d = setup_inputs()
    print(jax.jit(kernel)(*tuple(_d.values())))

</pallas_src>

<mosaic_0001>
#map = affine_map<(d0, d1) -> (0, 0)>
#map1 = affine_map<(d0, d1) -> (0)>
#map2 = affine_map<(d0, d1) -> (0, 0, 0)>
module attributes {stable_mosaic.version = 14 : i64} {
  func.func @_edge_body(%arg0: i32, %arg1: i32, %arg2: memref<10000x128xf32, #tpu.memory_space<hbm>>, %arg3: memref<323584xi32, #tpu.memory_space<hbm>>, %arg4: memref<323584xi32, #tpu.memory_space<hbm>>, %arg5: memref<2x10240x128xf32, #tpu.memory_space<hbm>>, %arg6: memref<128xi32, #tpu.memory_space<vmem>>, %arg7: memref<128xi32, #tpu.memory_space<vmem>>, %arg8: memref<128xi32, #tpu.memory_space<vmem>>, %arg9: memref<128xi32, #tpu.memory_space<vmem>>, %arg10: memref<128x128xf32, #tpu.memory_space<vmem>>, %arg11: memref<128x128xf32, #tpu.memory_space<vmem>>, %arg12: memref<10240x128xf32, #tpu.memory_space<vmem_shared>>, %arg13: memref<!tpu.dma_semaphore, #tpu.memory_space<semaphore_mem>>, %arg14: memref<!tpu.dma_semaphore, #tpu.memory_space<semaphore_mem>>) attributes {dimension_semantics = [#tpu.dimension_semantics<core_parallel>, #tpu.dimension_semantics<subcore_parallel>], iteration_bounds = array<i64: 2, 16>, scalar_prefetch = 0 : i64, scratch_operands = 9 : i64, tpu.core_type = #tpu.core_type<sc_vector_subcore>, window_params = [{transform_indices = #map}, {transform_indices = #map1}, {transform_indices = #map1}, {transform_indices = #map2}]} {
    %broadcast_in_dim3A = arith.constant 0.000000e+00 : f32
    %broadcast_in_dim3A_0 = vector.broadcast %broadcast_in_dim3A : f32 to vector<16xf32>
    %scan3A = arith.constant 0 : i32
    %scan3A_1 = arith.constant 0 : i32
    %scan3A_2 = arith.constant 128 : i32
    %scan3A_3 = arith.addi %scan3A_1, %scan3A_2 : i32
    %scan3A_4 = arith.constant 1 : i32
    scf.for %scan3A_54 = %scan3A_1 to %scan3A_3 step %scan3A_4  : i32 {
      %swap3A = arith.index_cast %scan3A_54 : i32 to index
      %swap3A_55 = arith.constant 0 : index
      %swap3A_56 = tpu.vector_load %arg10[%swap3A, %swap3A_55] {strides = array<i32>} : memref<128x128xf32, #tpu.memory_space<vmem>>, vector<1x16xf32>,
      %swap3A_57 = vector.shape_cast %swap3A_56 : vector<1x16xf32> to vector<16xf32>
      %swap3A_58 = vector.shape_cast %broadcast_in_dim3A_0 : vector<16xf32> to vector<1x16xf32>
      tpu.vector_store %arg10[%swap3A, %swap3A_55], %swap3A_58 {strides = array<i32>} : memref<128x128xf32, #tpu.memory_space<vmem>>, vector<1x16xf32>,
      %swap3A_59 = arith.index_cast %scan3A_54 : i32 to index
      %swap3A_60 = arith.constant 16 : index
      %swap3A_61 = tpu.vector_load %arg10[%swap3A_59, %swap3A_60] {strides = array<i32>} : memref<128x128xf32, #tpu.memory_space<vmem>>, vector<1x16xf32>,
      %swap3A_62 = vector.shape_cast %swap3A_61 : vector<1x16xf32> to vector<16xf32>
      %swap3A_63 = vector.shape_cast %broadcast_in_dim3A_0 : vector<16xf32> to vector<1x16xf32>
      tpu.vector_store %arg10[%swap3A_59, %swap3A_60], %swap3A_63 {strides = array<i32>} : memref<128x128xf32, #tpu.memory_space<vmem>>, vector<1x16xf32>,
      %swap3A_64 = arith.index_cast %scan3A_54 : i32 to index
      %swap3A_65 = arith.constant 32 : index
      %swap3A_66 = tpu.vector_load %arg10[%swap3A_64, %swap3A_65] {strides = array<i32>} : memref<128x128xf32, #tpu.memory_space<vmem>>, vector<1x16xf32>,
      %swap3A_67 = vector.shape_cast %swap3A_66 : vector<1x16xf32> to vector<16xf32>
      %swap3A_68 = vector.shape_cast %broadcast_in_dim3A_0 : vector<16xf32> to vector<1x16xf32>
      tpu.vector_store %arg10[%swap3A_64, %swap3A_65], %swap3A_68 {strides = array<i32>} : memref<128x128xf32, #tpu.memory_space<vmem>>, vector<1x16xf32>,
      %swap3A_69 = arith.index_cast %scan3A_54 : i32 to index
      %swap3A_70 = arith.constant 48 : index
      %swap3A_71 = tpu.vector_load %arg10[%swap3A_69, %swap3A_70] {strides = array<i32>} : memref<128x128xf32, #tpu.memory_space<vmem>>, vector<1x16xf32>,
      %swap3A_72 = vector.shape_cast %swap3A_71 : vector<1x16xf32> to vector<16xf32>
      %swap3A_73 = vector.shape_cast %broadcast_in_dim3A_0 : vector<16xf32> to vector<1x16xf32>
      tpu.vector_store %arg10[%swap3A_69, %swap3A_70], %swap3A_73 {strides = array<i32>} : memref<128x128xf32, #tpu.memory_space<vmem>>, vector<1x16xf32>,
      %swap3A_74 = arith.index_cast %scan3A_54 : i32 to index
      %swap3A_75 = arith.constant 64 : index
      %swap3A_76 = tpu.vector_load %arg10[%swap3A_74, %swap3A_75] {strides = array<i32>} : memref<128x128xf32, #tpu.memory_space<vmem>>, vector<1x16xf32>,
      %swap3A_77 = vector.shape_cast %swap3A_76 : vector<1x16xf32> to vector<16xf32>
      %swap3A_78 = vector.shape_cast %broadcast_in_dim3A_0 : vector<16xf32> to vector<1x16xf32>
      tpu.vector_store %arg10[%swap3A_74, %swap3A_75], %swap3A_78 {strides = array<i32>} : memref<128x128xf32, #tpu.memory_space<vmem>>, vector<1x16xf32>,
      %swap3A_79 = arith.index_cast %scan3A_54 : i32 to index
      %swap3A_80 = arith.constant 80 : index
      %swap3A_81 = tpu.vector_load %arg10[%swap3A_79, %swap3A_80] {strides = array<i32>} : memref<128x128xf32, #tpu.memory_space<vmem>>, vector<1x16xf32>,
      %swap3A_82 = vector.shape_cast %swap3A_81 : vector<1x16xf32> to vector<16xf32>
      %swap3A_83 = vector.shape_cast %broadcast_in_dim3A_0 : vector<16xf32> to vector<1x16xf32>
      tpu.vector_store %arg10[%swap3A_79, %swap3A_80], %swap3A_83 {strides = array<i32>} : memref<128x128xf32, #tpu.memory_space<vmem>>, vector<1x16xf32>,
      %swap3A_84 = arith.index_cast %scan3A_54 : i32 to index
      %swap3A_85 = arith.constant 96 : index
      %swap3A_86 = tpu.vector_load %arg10[%swap3A_84, %swap3A_85] {strides = array<i32>} : memref<128x128xf32, #tpu.memory_space<vmem>>, vector<1x16xf32>,
      %swap3A_87 = vector.shape_cast %swap3A_86 : vector<1x16xf32> to vector<16xf32>
      %swap3A_88 = vector.shape_cast %broadcast_in_dim3A_0 : vector<16xf32> to vector<1x16xf32>
      tpu.vector_store %arg10[%swap3A_84, %swap3A_85], %swap3A_88 {strides = array<i32>} : memref<128x128xf32, #tpu.memory_space<vmem>>, vector<1x16xf32>,
      %swap3A_89 = arith.index_cast %scan3A_54 : i32 to index
      %swap3A_90 = arith.constant 112 : index
      %swap3A_91 = tpu.vector_load %arg10[%swap3A_89, %swap3A_90] {strides = array<i32>} : memref<128x128xf32, #tpu.memory_space<vmem>>, vector<1x16xf32>,
      %swap3A_92 = vector.shape_cast %swap3A_91 : vector<1x16xf32> to vector<16xf32>
      %swap3A_93 = vector.shape_cast %broadcast_in_dim3A_0 : vector<16xf32> to vector<1x16xf32>
      tpu.vector_store %arg10[%swap3A_89, %swap3A_90], %swap3A_93 {strides = array<i32>} : memref<128x128xf32, #tpu.memory_space<vmem>>, vector<1x16xf32>,
    }
    %scan3A_5 = arith.constant 128 : i32
    %mul3A = arith.constant 640 : i32
    %mul3A_6 = arith.muli %arg1, %mul3A : i32
    %add3A = arith.constant 0 : i32
    %add3A_7 = arith.addi %mul3A_6, %add3A : i32
    "tpu.region"() ({
      %run_scoped3A = tpu.sem_alloc : memref<!tpu.dma_semaphore, #tpu.memory_space<semaphore_mem>>
      %dma_start3A_54 = arith.constant 0 : i32
      %dma_start3A_55 = tpu.memref_slice %arg12[%add3A_7, %dma_start3A_54] : memref<10240x128xf32, #tpu.memory_space<vmem_shared>> -> memref<128x128xf32, #tpu.memory_space<vmem_shared>>
      %dma_start3A_56 = arith.constant 0 : i32
      %dma_start3A_57 = tpu.memref_slice %arg12[%add3A_7, %dma_start3A_56] : memref<10240x128xf32, #tpu.memory_space<vmem_shared>> -> memref<128x128xf32, #tpu.memory_space<vmem_shared>>
      tpu.enqueue_dma source(%arg10 : memref<128x128xf32, #tpu.memory_space<vmem>>) target(%dma_start3A_57 : memref<128x128xf32, #tpu.memory_space<vmem_shared>>) target_semaphore(%run_scoped3A : memref<!tpu.dma_semaphore, #tpu.memory_space<semaphore_mem>>)
      %dma_wait3A_58 = arith.constant 0 : i32
      %dma_wait3A_59 = tpu.memref_slice %arg12[%add3A_7, %dma_wait3A_58] : memref<10240x128xf32, #tpu.memory_space<vmem_shared>> -> memref<128x128xf32, #tpu.memory_space<vmem_shared>>
      %dma_wait3A_60 = arith.constant 0 : i32
      %dma_wait3A_61 = tpu.memref_slice %arg12[%add3A_7, %dma_wait3A_60] : memref<10240x128xf32, #tpu.memory_space<vmem_shared>> -> memref<128x128xf32, #tpu.memory_space<vmem_shared>>
      tpu.wait_dma2 semaphore(%run_scoped3A : memref<!tpu.dma_semaphore, #tpu.memory_space<semaphore_mem>>) src(%arg10 : memref<128x128xf32, #tpu.memory_space<vmem>>) dst(%dma_wait3A_61 : memref<128x128xf32, #tpu.memory_space<vmem_shared>>)
      tpu.yield
    }) : () -> ()
    %mul3A_8 = arith.constant 640 : i32
    %mul3A_9 = arith.muli %arg1, %mul3A_8 : i32
    %add3A_10 = arith.constant 128 : i32
    %add3A_11 = arith.addi %mul3A_9, %add3A_10 : i32
    "tpu.region"() ({
      %run_scoped3A = tpu.sem_alloc : memref<!tpu.dma_semaphore, #tpu.memory_space<semaphore_mem>>
      %dma_start3A_54 = arith.constant 0 : i32
      %dma_start3A_55 = tpu.memref_slice %arg12[%add3A_11, %dma_start3A_54] : memref<10240x128xf32, #tpu.memory_space<vmem_shared>> -> memref<128x128xf32, #tpu.memory_space<vmem_shared>>
      %dma_start3A_56 = arith.constant 0 : i32
      %dma_start3A_57 = tpu.memref_slice %arg12[%add3A_11, %dma_start3A_56] : memref<10240x128xf32, #tpu.memory_space<vmem_shared>> -> memref<128x128xf32, #tpu.memory_space<vmem_shared>>
      tpu.enqueue_dma source(%arg10 : memref<128x128xf32, #tpu.memory_space<vmem>>) target(%dma_start3A_57 : memref<128x128xf32, #tpu.memory_space<vmem_shared>>) target_semaphore(%run_scoped3A : memref<!tpu.dma_semaphore, #tpu.memory_space<semaphore_mem>>)
      %dma_wait3A_58 = arith.constant 0 : i32
      %dma_wait3A_59 = tpu.memref_slice %arg12[%add3A_11, %dma_wait3A_58] : memref<10240x128xf32, #tpu.memory_space<vmem_shared>> -> memref<128x128xf32, #tpu.memory_space<vmem_shared>>
      %dma_wait3A_60 = arith.constant 0 : i32
      %dma_wait3A_61 = tpu.memref_slice %arg12[%add3A_11, %dma_wait3A_60] : memref<10240x128xf32, #tpu.memory_space<vmem_shared>> -> memref<128x128xf32, #tpu.memory_space<vmem_shared>>
      tpu.wait_dma2 semaphore(%run_scoped3A : memref<!tpu.dma_semaphore, #tpu.memory_space<semaphore_mem>>) src(%arg10 : memref<128x128xf32, #tpu.memory_space<vmem>>) dst(%dma_wait3A_61 : memref<128x128xf32, #tpu.memory_space<vmem_shared>>)
      tpu.yield
    }) : () -> ()
    %mul3A_12 = arith.constant 640 : i32
    %mul3A_13 = arith.muli %arg1, %mul3A_12 : i32
    %add3A_14 = arith.constant 256 : i32
    %add3A_15 = arith.addi %mul3A_13, %add3A_14 : i32
    "tpu.region"() ({
      %run_scoped3A = tpu.sem_alloc : memref<!tpu.dma_semaphore, #tpu.memory_space<semaphore_mem>>
      %dma_start3A_54 = arith.constant 0 : i32
      %dma_start3A_55 = tpu.memref_slice %arg12[%add3A_15, %dma_start3A_54] : memref<10240x128xf32, #tpu.memory_space<vmem_shared>> -> memref<128x128xf32, #tpu.memory_space<vmem_shared>>
      %dma_start3A_56 = arith.constant 0 : i32
      %dma_start3A_57 = tpu.memref_slice %arg12[%add3A_15, %dma_start3A_56] : memref<10240x128xf32, #tpu.memory_space<vmem_shared>> -> memref<128x128xf32, #tpu.memory_space<vmem_shared>>
      tpu.enqueue_dma source(%arg10 : memref<128x128xf32, #tpu.memory_space<vmem>>) target(%dma_start3A_57 : memref<128x128xf32, #tpu.memory_space<vmem_shared>>) target_semaphore(%run_scoped3A : memref<!tpu.dma_semaphore, #tpu.memory_space<semaphore_mem>>)
      %dma_wait3A_58 = arith.constant 0 : i32
      %dma_wait3A_59 = tpu.memref_slice %arg12[%add3A_15, %dma_wait3A_58] : memref<10240x128xf32, #tpu.memory_space<vmem_shared>> -> memref<128x128xf32, #tpu.memory_space<vmem_shared>>
      %dma_wait3A_60 = arith.constant 0 : i32
      %dma_wait3A_61 = tpu.memref_slice %arg12[%add3A_15, %dma_wait3A_60] : memref<10240x128xf32, #tpu.memory_space<vmem_shared>> -> memref<128x128xf32, #tpu.memory_space<vmem_shared>>
      tpu.wait_dma2 semaphore(%run_scoped3A : memref<!tpu.dma_semaphore, #tpu.memory_space<semaphore_mem>>) src(%arg10 : memref<128x128xf32, #tpu.memory_space<vmem>>) dst(%dma_wait3A_61 : memref<128x128xf32, #tpu.memory_space<vmem_shared>>)
      tpu.yield
    }) : () -> ()
    %mul3A_16 = arith.constant 640 : i32
    %mul3A_17 = arith.muli %arg1, %mul3A_16 : i32
    %add3A_18 = arith.constant 384 : i32
    %add3A_19 = arith.addi %mul3A_17, %add3A_18 : i32
    "tpu.region"() ({
      %run_scoped3A = tpu.sem_alloc : memref<!tpu.dma_semaphore, #tpu.memory_space<semaphore_mem>>
      %dma_start3A_54 = arith.constant 0 : i32
      %dma_start3A_55 = tpu.memref_slice %arg12[%add3A_19, %dma_start3A_54] : memref<10240x128xf32, #tpu.memory_space<vmem_shared>> -> memref<128x128xf32, #tpu.memory_space<vmem_shared>>
      %dma_start3A_56 = arith.constant 0 : i32
      %dma_start3A_57 = tpu.memref_slice %arg12[%add3A_19, %dma_start3A_56] : memref<10240x128xf32, #tpu.memory_space<vmem_shared>> -> memref<128x128xf32, #tpu.memory_space<vmem_shared>>
      tpu.enqueue_dma source(%arg10 : memref<128x128xf32, #tpu.memory_space<vmem>>) target(%dma_start3A_57 : memref<128x128xf32, #tpu.memory_space<vmem_shared>>) target_semaphore(%run_scoped3A : memref<!tpu.dma_semaphore, #tpu.memory_space<semaphore_mem>>)
      %dma_wait3A_58 = arith.constant 0 : i32
      %dma_wait3A_59 = tpu.memref_slice %arg12[%add3A_19, %dma_wait3A_58] : memref<10240x128xf32, #tpu.memory_space<vmem_shared>> -> memref<128x128xf32, #tpu.memory_space<vmem_shared>>
      %dma_wait3A_60 = arith.constant 0 : i32
      %dma_wait3A_61 = tpu.memref_slice %arg12[%add3A_19, %dma_wait3A_60] : memref<10240x128xf32, #tpu.memory_space<vmem_shared>> -> memref<128x128xf32, #tpu.memory_space<vmem_shared>>
      tpu.wait_dma2 semaphore(%run_scoped3A : memref<!tpu.dma_semaphore, #tpu.memory_space<semaphore_mem>>) src(%arg10 : memref<128x128xf32, #tpu.memory_space<vmem>>) dst(%dma_wait3A_61 : memref<128x128xf32, #tpu.memory_space<vmem_shared>>)
      tpu.yield
    }) : () -> ()
    %mul3A_20 = arith.constant 640 : i32
    %mul3A_21 = arith.muli %arg1, %mul3A_20 : i32
    %add3A_22 = arith.constant 512 : i32
    %add3A_23 = arith.addi %mul3A_21, %add3A_22 : i32
    "tpu.region"() ({
      %run_scoped3A = tpu.sem_alloc : memref<!tpu.dma_semaphore, #tpu.memory_space<semaphore_mem>>
      %dma_start3A_54 = arith.constant 0 : i32
      %dma_start3A_55 = tpu.memref_slice %arg12[%add3A_23, %dma_start3A_54] : memref<10240x128xf32, #tpu.memory_space<vmem_shared>> -> memref<128x128xf32, #tpu.memory_space<vmem_shared>>
      %dma_start3A_56 = arith.constant 0 : i32
      %dma_start3A_57 = tpu.memref_slice %arg12[%add3A_23, %dma_start3A_56] : memref<10240x128xf32, #tpu.memory_space<vmem_shared>> -> memref<128x128xf32, #tpu.memory_space<vmem_shared>>
      tpu.enqueue_dma source(%arg10 : memref<128x128xf32, #tpu.memory_space<vmem>>) target(%dma_start3A_57 : memref<128x128xf32, #tpu.memory_space<vmem_shared>>) target_semaphore(%run_scoped3A : memref<!tpu.dma_semaphore, #tpu.memory_space<semaphore_mem>>)
      %dma_wait3A_58 = arith.constant 0 : i32
      %dma_wait3A_59 = tpu.memref_slice %arg12[%add3A_23, %dma_wait3A_58] : memref<10240x128xf32, #tpu.memory_space<vmem_shared>> -> memref<128x128xf32, #tpu.memory_space<vmem_shared>>
      %dma_wait3A_60 = arith.constant 0 : i32
      %dma_wait3A_61 = tpu.memref_slice %arg12[%add3A_23, %dma_wait3A_60] : memref<10240x128xf32, #tpu.memory_space<vmem_shared>> -> memref<128x128xf32, #tpu.memory_space<vmem_shared>>
      tpu.wait_dma2 semaphore(%run_scoped3A : memref<!tpu.dma_semaphore, #tpu.memory_space<semaphore_mem>>) src(%arg10 : memref<128x128xf32, #tpu.memory_space<vmem>>) dst(%dma_wait3A_61 : memref<128x128xf32, #tpu.memory_space<vmem_shared>>)
      tpu.yield
    }) : () -> ()
    %barrier3A = arith.constant 0 : index
    tpu.barrier barrier_id(%barrier3A)
    %mul3A_24 = arith.constant 16 : i32
    %mul3A_25 = arith.muli %arg0, %mul3A_24 : i32
    %add3A_26 = arith.addi %mul3A_25, %arg1 : i32
    %mul3A_27 = arith.constant 79 : i32
    %mul3A_28 = arith.muli %add3A_26, %mul3A_27 : i32
    %mul3A_29 = arith.constant 128 : i32
    %mul3A_30 = arith.muli %mul3A_28, %mul3A_29 : i32
    "tpu.region"() ({
      %run_scoped3A = tpu.sem_alloc : memref<!tpu.dma_semaphore, #tpu.memory_space<semaphore_mem>>
      %dma_start3A_54 = tpu.memref_slice %arg3[%mul3A_30] : memref<323584xi32, #tpu.memory_space<hbm>> -> memref<128xi32, #tpu.memory_space<hbm>>
      %dma_start3A_55 = tpu.memref_slice %arg3[%mul3A_30] : memref<323584xi32, #tpu.memory_space<hbm>> -> memref<128xi32, #tpu.memory_space<hbm>>
      tpu.enqueue_dma source(%dma_start3A_55 : memref<128xi32, #tpu.memory_space<hbm>>) target(%arg6 : memref<128xi32, #tpu.memory_space<vmem>>) target_semaphore(%run_scoped3A : memref<!tpu.dma_semaphore, #tpu.memory_space<semaphore_mem>>)
      %dma_wait3A_56 = tpu.memref_slice %arg3[%mul3A_30] : memref<323584xi32, #tpu.memory_space<hbm>> -> memref<128xi32, #tpu.memory_space<hbm>>
      %dma_wait3A_57 = tpu.memref_slice %arg3[%mul3A_30] : memref<323584xi32, #tpu.memory_space<hbm>> -> memref<128xi32, #tpu.memory_space<hbm>>
      tpu.wait_dma2 semaphore(%run_scoped3A : memref<!tpu.dma_semaphore, #tpu.memory_space<semaphore_mem>>) src(%dma_wait3A_57 : memref<128xi32, #tpu.memory_space<hbm>>) dst(%arg6 : memref<128xi32, #tpu.memory_space<vmem>>)
      tpu.yield
    }) : () -> ()
    %dma_start3A = arith.constant 0 : i32
    %dma_start3A_31 = arith.constant 0 : i32
    %dma_start3A_32 = tpu.memref_slice %arg2[%dma_start3A, %dma_start3A_31] : memref<10000x128xf32, #tpu.memory_space<hbm>> -> memref<10000x128xf32, #tpu.memory_space<hbm>>
    tpu.enqueue_indirect_dma source(%dma_start3A_32 : memref<10000x128xf32, #tpu.memory_space<hbm>>) target(%arg10 : memref<128x128xf32, #tpu.memory_space<vmem>>) offsets(%arg6 : memref<128xi32, #tpu.memory_space<vmem>>) semaphore(%arg13 : memref<!tpu.dma_semaphore, #tpu.memory_space<semaphore_mem>>)
    %mul3A_33 = arith.constant 128 : i32
    %mul3A_34 = arith.muli %mul3A_28, %mul3A_33 : i32
    %dma_start3A_35 = tpu.memref_slice %arg4[%mul3A_34] : memref<323584xi32, #tpu.memory_space<hbm>> -> memref<128xi32, #tpu.memory_space<hbm>>
    %dma_start3A_36 = tpu.memref_slice %arg4[%mul3A_34] : memref<323584xi32, #tpu.memory_space<hbm>> -> memref<128xi32, #tpu.memory_space<hbm>>
    tpu.enqueue_dma source(%dma_start3A_36 : memref<128xi32, #tpu.memory_space<hbm>>) target(%arg8 : memref<128xi32, #tpu.memory_space<vmem>>) target_semaphore(%arg14 : memref<!tpu.dma_semaphore, #tpu.memory_space<semaphore_mem>>)
    %scan3A_37 = arith.constant 0 : i32
    %scan3A_38 = arith.constant 0 : i32
    %scan3A_39 = arith.constant 39 : i32
    %scan3A_40 = arith.addi %scan3A_38, %scan3A_39 : i32
    %scan3A_41 = arith.constant 1 : i32
    scf.for %scan3A_54 = %scan3A_38 to %scan3A_40 step %scan3A_41  : i32 {
      %mul3A_55 = arith.constant 2 : i32
      %mul3A_56 = arith.muli %mul3A_55, %scan3A_54 : i32
      %add3A_57 = arith.addi %mul3A_28, %mul3A_56 : i32
      %add3A_58 = arith.constant 1 : i32
      %add3A_59 = arith.addi %add3A_57, %add3A_58 : i32
      %mul3A_60 = arith.constant 128 : i32
      %mul3A_61 = arith.muli %add3A_59, %mul3A_60 : i32
      "tpu.region"() ({
        %run_scoped3A = tpu.sem_alloc : memref<!tpu.dma_semaphore, #tpu.memory_space<semaphore_mem>>
        %dma_start3A_93 = tpu.memref_slice %arg3[%mul3A_61] : memref<323584xi32, #tpu.memory_space<hbm>> -> memref<128xi32, #tpu.memory_space<hbm>>
        %dma_start3A_94 = tpu.memref_slice %arg3[%mul3A_61] : memref<323584xi32, #tpu.memory_space<hbm>> -> memref<128xi32, #tpu.memory_space<hbm>>
        tpu.enqueue_dma source(%dma_start3A_94 : memref<128xi32, #tpu.memory_space<hbm>>) target(%arg7 : memref<128xi32, #tpu.memory_space<vmem>>) target_semaphore(%run_scoped3A : memref<!tpu.dma_semaphore, #tpu.memory_space<semaphore_mem>>)
        %dma_wait3A_95 = tpu.memref_slice %arg3[%mul3A_61] : memref<323584xi32, #tpu.memory_space<hbm>> -> memref<128xi32, #tpu.memory_space<hbm>>
        %dma_wait3A_96 = tpu.memref_slice %arg3[%mul3A_61] : memref<323584xi32, #tpu.memory_space<hbm>> -> memref<128xi32, #tpu.memory_space<hbm>>
        tpu.wait_dma2 semaphore(%run_scoped3A : memref<!tpu.dma_semaphore, #tpu.memory_space<semaphore_mem>>) src(%dma_wait3A_96 : memref<128xi32, #tpu.memory_space<hbm>>) dst(%arg7 : memref<128xi32, #tpu.memory_space<vmem>>)
        tpu.yield
      }) : () -> ()
      %dma_wait3A_62 = arith.constant 0 : i32
      %dma_wait3A_63 = arith.constant 0 : i32
      %dma_wait3A_64 = tpu.memref_slice %arg2[%dma_wait3A_62, %dma_wait3A_63] : memref<10000x128xf32, #tpu.memory_space<hbm>> -> memref<10000x128xf32, #tpu.memory_space<hbm>>
      tpu.wait_indirect_dma semaphore(%arg13 : memref<!tpu.dma_semaphore, #tpu.memory_space<semaphore_mem>>) src(%dma_wait3A_64 : memref<10000x128xf32, #tpu.memory_space<hbm>>) dst(%arg10 : memref<128x128xf32, #tpu.memory_space<vmem>>)
      %dma_start3A_65 = arith.constant 0 : i32
      %dma_start3A_66 = arith.constant 0 : i32
      %dma_start3A_67 = tpu.memref_slice %arg2[%dma_start3A_65, %dma_start3A_66] : memref<10000x128xf32, #tpu.memory_space<hbm>> -> memref<10000x128xf32, #tpu.memory_space<hbm>>
      tpu.enqueue_indirect_dma source(%dma_start3A_67 : memref<10000x128xf32, #tpu.memory_space<hbm>>) target(%arg11 : memref<128x128xf32, #tpu.memory_space<vmem>>) offsets(%arg7 : memref<128xi32, #tpu.memory_space<vmem>>) semaphore(%arg13 : memref<!tpu.dma_semaphore, #tpu.memory_space<semaphore_mem>>)
      %dma_start3A_68 = tpu.memref_slice %arg4[%mul3A_61] : memref<323584xi32, #tpu.memory_space<hbm>> -> memref<128xi32, #tpu.memory_space<hbm>>
      %dma_start3A_69 = tpu.memref_slice %arg4[%mul3A_61] : memref<323584xi32, #tpu.memory_space<hbm>> -> memref<128xi32, #tpu.memory_space<hbm>>
      tpu.enqueue_dma source(%dma_start3A_69 : memref<128xi32, #tpu.memory_space<hbm>>) target(%arg9 : memref<128xi32, #tpu.memory_space<vmem>>) target_semaphore(%arg14 : memref<!tpu.dma_semaphore, #tpu.memory_space<semaphore_mem>>)
      %dma_wait3A_70 = arith.constant 0 : i32
      %dma_wait3A_71 = tpu.memref_slice %arg4[%dma_wait3A_70] : memref<323584xi32, #tpu.memory_space<hbm>> -> memref<128xi32, #tpu.memory_space<hbm>>
      %dma_wait3A_72 = arith.constant 0 : i32
      %dma_wait3A_73 = tpu.memref_slice %arg4[%dma_wait3A_72] : memref<323584xi32, #tpu.memory_space<hbm>> -> memref<128xi32, #tpu.memory_space<hbm>>
      tpu.wait_dma2 semaphore(%arg14 : memref<!tpu.dma_semaphore, #tpu.memory_space<semaphore_mem>>) src(%dma_wait3A_73 : memref<128xi32, #tpu.memory_space<hbm>>) dst(%arg8 : memref<128xi32, #tpu.memory_space<vmem>>)
      "tpu.region"() ({
        %run_scoped3A = tpu.sem_alloc : memref<!tpu.dma_semaphore, #tpu.memory_space<semaphore_mem>>
        %dma_start3A_93 = arith.constant 0 : i32
        %dma_start3A_94 = arith.constant 0 : i32
        %dma_start3A_95 = tpu.memref_slice %arg12[%dma_start3A_93, %dma_start3A_94] : memref<10240x128xf32, #tpu.memory_space<vmem_shared>> -> memref<10240x128xf32, #tpu.memory_space<vmem_shared>>
        tpu.enqueue_indirect_dma source(%arg10 : memref<128x128xf32, #tpu.memory_space<vmem>>) target(%dma_start3A_95 : memref<10240x128xf32, #tpu.memory_space<vmem_shared>>) offsets(%arg8 : memref<128xi32, #tpu.memory_space<vmem>>) semaphore(%run_scoped3A : memref<!tpu.dma_semaphore, #tpu.memory_space<semaphore_mem>>) {add = true}
        %dma_wait3A_96 = arith.constant 0 : i32
        %dma_wait3A_97 = arith.constant 0 : i32
        %dma_wait3A_98 = tpu.memref_slice %arg12[%dma_wait3A_96, %dma_wait3A_97] : memref<10240x128xf32, #tpu.memory_space<vmem_shared>> -> memref<10240x128xf32, #tpu.memory_space<vmem_shared>>
        tpu.wait_indirect_dma semaphore(%run_scoped3A : memref<!tpu.dma_semaphore, #tpu.memory_space<semaphore_mem>>) src(%arg10 : memref<128x128xf32, #tpu.memory_space<vmem>>) dst(%dma_wait3A_98 : memref<10240x128xf32, #tpu.memory_space<vmem_shared>>)
        tpu.yield
      }) : () -> ()
      %mul3A_74 = arith.constant 2 : i32
      %mul3A_75 = arith.muli %mul3A_74, %scan3A_54 : i32
      %add3A_76 = arith.addi %mul3A_28, %mul3A_75 : i32
      %add3A_77 = arith.constant 2 : i32
      %add3A_78 = arith.addi %add3A_76, %add3A_77 : i32
      %mul3A_79 = arith.constant 128 : i32
      %mul3A_80 = arith.muli %add3A_78, %mul3A_79 : i32
      "tpu.region"() ({
        %run_scoped3A = tpu.sem_alloc : memref<!tpu.dma_semaphore, #tpu.memory_space<semaphore_mem>>
        %dma_start3A_93 = tpu.memref_slice %arg3[%mul3A_80] : memref<323584xi32, #tpu.memory_space<hbm>> -> memref<128xi32, #tpu.memory_space<hbm>>
        %dma_start3A_94 = tpu.memref_slice %arg3[%mul3A_80] : memref<323584xi32, #tpu.memory_space<hbm>> -> memref<128xi32, #tpu.memory_space<hbm>>
        tpu.enqueue_dma source(%dma_start3A_94 : memref<128xi32, #tpu.memory_space<hbm>>) target(%arg6 : memref<128xi32, #tpu.memory_space<vmem>>) target_semaphore(%run_scoped3A : memref<!tpu.dma_semaphore, #tpu.memory_space<semaphore_mem>>)
        %dma_wait3A_95 = tpu.memref_slice %arg3[%mul3A_80] : memref<323584xi32, #tpu.memory_space<hbm>> -> memref<128xi32, #tpu.memory_space<hbm>>
        %dma_wait3A_96 = tpu.memref_slice %arg3[%mul3A_80] : memref<323584xi32, #tpu.memory_space<hbm>> -> memref<128xi32, #tpu.memory_space<hbm>>
        tpu.wait_dma2 semaphore(%run_scoped3A : memref<!tpu.dma_semaphore, #tpu.memory_space<semaphore_mem>>) src(%dma_wait3A_96 : memref<128xi32, #tpu.memory_space<hbm>>) dst(%arg6 : memref<128xi32, #tpu.memory_space<vmem>>)
        tpu.yield
      }) : () -> ()
      %dma_wait3A_81 = arith.constant 0 : i32
      %dma_wait3A_82 = arith.constant 0 : i32
      %dma_wait3A_83 = tpu.memref_slice %arg2[%dma_wait3A_81, %dma_wait3A_82] : memref<10000x128xf32, #tpu.memory_space<hbm>> -> memref<10000x128xf32, #tpu.memory_space<hbm>>
      tpu.wait_indirect_dma semaphore(%arg13 : memref<!tpu.dma_semaphore, #tpu.memory_space<semaphore_mem>>) src(%dma_wait3A_83 : memref<10000x128xf32, #tpu.memory_space<hbm>>) dst(%arg11 : memref<128x128xf32, #tpu.memory_space<vmem>>)
      %dma_start3A_84 = arith.constant 0 : i32
      %dma_start3A_85 = arith.constant 0 : i32
      %dma_start3A_86 = tpu.memref_slice %arg2[%dma_start3A_84, %dma_start3A_85] : memref<10000x128xf32, #tpu.memory_space<hbm>> -> memref<10000x128xf32, #tpu.memory_space<hbm>>
      tpu.enqueue_indirect_dma source(%dma_start3A_86 : memref<10000x128xf32, #tpu.memory_space<hbm>>) target(%arg10 : memref<128x128xf32, #tpu.memory_space<vmem>>) offsets(%arg6 : memref<128xi32, #tpu.memory_space<vmem>>) semaphore(%arg13 : memref<!tpu.dma_semaphore, #tpu.memory_space<semaphore_mem>>)
      %dma_start3A_87 = tpu.memref_slice %arg4[%mul3A_80] : memref<323584xi32, #tpu.memory_space<hbm>> -> memref<128xi32, #tpu.memory_space<hbm>>
      %dma_start3A_88 = tpu.memref_slice %arg4[%mul3A_80] : memref<323584xi32, #tpu.memory_space<hbm>> -> memref<128xi32, #tpu.memory_space<hbm>>
      tpu.enqueue_dma source(%dma_start3A_88 : memref<128xi32, #tpu.memory_space<hbm>>) target(%arg8 : memref<128xi32, #tpu.memory_space<vmem>>) target_semaphore(%arg14 : memref<!tpu.dma_semaphore, #tpu.memory_space<semaphore_mem>>)
      %dma_wait3A_89 = arith.constant 0 : i32
      %dma_wait3A_90 = tpu.memref_slice %arg4[%dma_wait3A_89] : memref<323584xi32, #tpu.memory_space<hbm>> -> memref<128xi32, #tpu.memory_space<hbm>>
      %dma_wait3A_91 = arith.constant 0 : i32
      %dma_wait3A_92 = tpu.memref_slice %arg4[%dma_wait3A_91] : memref<323584xi32, #tpu.memory_space<hbm>> -> memref<128xi32, #tpu.memory_space<hbm>>
      tpu.wait_dma2 semaphore(%arg14 : memref<!tpu.dma_semaphore, #tpu.memory_space<semaphore_mem>>) src(%dma_wait3A_92 : memref<128xi32, #tpu.memory_space<hbm>>) dst(%arg9 : memref<128xi32, #tpu.memory_space<vmem>>)
      "tpu.region"() ({
        %run_scoped3A = tpu.sem_alloc : memref<!tpu.dma_semaphore, #tpu.memory_space<semaphore_mem>>
        %dma_start3A_93 = arith.constant 0 : i32
        %dma_start3A_94 = arith.constant 0 : i32
        %dma_start3A_95 = tpu.memref_slice %arg12[%dma_start3A_93, %dma_start3A_94] : memref<10240x128xf32, #tpu.memory_space<vmem_shared>> -> memref<10240x128xf32, #tpu.memory_space<vmem_shared>>
        tpu.enqueue_indirect_dma source(%arg11 : memref<128x128xf32, #tpu.memory_space<vmem>>) target(%dma_start3A_95 : memref<10240x128xf32, #tpu.memory_space<vmem_shared>>) offsets(%arg9 : memref<128xi32, #tpu.memory_space<vmem>>) semaphore(%run_scoped3A : memref<!tpu.dma_semaphore, #tpu.memory_space<semaphore_mem>>) {add = true}
        %dma_wait3A_96 = arith.constant 0 : i32
        %dma_wait3A_97 = arith.constant 0 : i32
        %dma_wait3A_98 = tpu.memref_slice %arg12[%dma_wait3A_96, %dma_wait3A_97] : memref<10240x128xf32, #tpu.memory_space<vmem_shared>> -> memref<10240x128xf32, #tpu.memory_space<vmem_shared>>
        tpu.wait_indirect_dma semaphore(%run_scoped3A : memref<!tpu.dma_semaphore, #tpu.memory_space<semaphore_mem>>) src(%arg11 : memref<128x128xf32, #tpu.memory_space<vmem>>) dst(%dma_wait3A_98 : memref<10240x128xf32, #tpu.memory_space<vmem_shared>>)
        tpu.yield
      }) : () -> ()
    }
    %scan3A_42 = arith.constant 39 : i32
    %dma_wait3A = arith.constant 0 : i32
    %dma_wait3A_43 = arith.constant 0 : i32
    %dma_wait3A_44 = tpu.memref_slice %arg2[%dma_wait3A, %dma_wait3A_43] : memref<10000x128xf32, #tpu.memory_space<hbm>> -> memref<10000x128xf32, #tpu.memory_space<hbm>>
    tpu.wait_indirect_dma semaphore(%arg13 : memref<!tpu.dma_semaphore, #tpu.memory_space<semaphore_mem>>) src(%dma_wait3A_44 : memref<10000x128xf32, #tpu.memory_space<hbm>>) dst(%arg10 : memref<128x128xf32, #tpu.memory_space<vmem>>)
    %dma_wait3A_45 = arith.constant 0 : i32
    %dma_wait3A_46 = tpu.memref_slice %arg4[%dma_wait3A_45] : memref<323584xi32, #tpu.memory_space<hbm>> -> memref<128xi32, #tpu.memory_space<hbm>>
    %dma_wait3A_47 = arith.constant 0 : i32
    %dma_wait3A_48 = tpu.memref_slice %arg4[%dma_wait3A_47] : memref<323584xi32, #tpu.memory_space<hbm>> -> memref<128xi32, #tpu.memory_space<hbm>>
    tpu.wait_dma2 semaphore(%arg14 : memref<!tpu.dma_semaphore, #tpu.memory_space<semaphore_mem>>) src(%dma_wait3A_48 : memref<128xi32, #tpu.memory_space<hbm>>) dst(%arg8 : memref<128xi32, #tpu.memory_space<vmem>>)
    "tpu.region"() ({
      %run_scoped3A = tpu.sem_alloc : memref<!tpu.dma_semaphore, #tpu.memory_space<semaphore_mem>>
      %dma_start3A_54 = arith.constant 0 : i32
      %dma_start3A_55 = arith.constant 0 : i32
      %dma_start3A_56 = tpu.memref_slice %arg12[%dma_start3A_54, %dma_start3A_55] : memref<10240x128xf32, #tpu.memory_space<vmem_shared>> -> memref<10240x128xf32, #tpu.memory_space<vmem_shared>>
      tpu.enqueue_indirect_dma source(%arg10 : memref<128x128xf32, #tpu.memory_space<vmem>>) target(%dma_start3A_56 : memref<10240x128xf32, #tpu.memory_space<vmem_shared>>) offsets(%arg8 : memref<128xi32, #tpu.memory_space<vmem>>) semaphore(%run_scoped3A : memref<!tpu.dma_semaphore, #tpu.memory_space<semaphore_mem>>) {add = true}
      %dma_wait3A_57 = arith.constant 0 : i32
      %dma_wait3A_58 = arith.constant 0 : i32
      %dma_wait3A_59 = tpu.memref_slice %arg12[%dma_wait3A_57, %dma_wait3A_58] : memref<10240x128xf32, #tpu.memory_space<vmem_shared>> -> memref<10240x128xf32, #tpu.memory_space<vmem_shared>>
      tpu.wait_indirect_dma semaphore(%run_scoped3A : memref<!tpu.dma_semaphore, #tpu.memory_space<semaphore_mem>>) src(%arg10 : memref<128x128xf32, #tpu.memory_space<vmem>>) dst(%dma_wait3A_59 : memref<10240x128xf32, #tpu.memory_space<vmem_shared>>)
      tpu.yield
    }) : () -> ()
    %barrier3A_49 = arith.constant 0 : index
    tpu.barrier barrier_id(%barrier3A_49)
    %mul3A_50 = arith.constant 640 : i32
    %mul3A_51 = arith.muli %arg1, %mul3A_50 : i32
    %mul3A_52 = arith.constant 640 : i32
    %mul3A_53 = arith.muli %arg1, %mul3A_52 : i32
    "tpu.region"() ({
      %run_scoped3A = tpu.sem_alloc : memref<!tpu.dma_semaphore, #tpu.memory_space<semaphore_mem>>
      %dma_start3A_54 = arith.constant 0 : i32
      %dma_start3A_55 = tpu.memref_slice %arg5[%arg0, %mul3A_53, %dma_start3A_54] : memref<2x10240x128xf32, #tpu.memory_space<hbm>> -> memref<1x640x128xf32, #tpu.memory_space<hbm>>
      %dma_start3A_56 = tpu.memref_squeeze %dma_start3A_55 : memref<1x640x128xf32, #tpu.memory_space<hbm>> -> memref<640x128xf32, #tpu.memory_space<hbm>>
      %dma_start3A_57 = arith.constant 0 : i32
      %dma_start3A_58 = tpu.memref_slice %arg12[%mul3A_51, %dma_start3A_57] : memref<10240x128xf32, #tpu.memory_space<vmem_shared>> -> memref<640x128xf32, #tpu.memory_space<vmem_shared>>
      tpu.enqueue_dma source(%dma_start3A_58 : memref<640x128xf32, #tpu.memory_space<vmem_shared>>) target(%dma_start3A_56 : memref<640x128xf32, #tpu.memory_space<hbm>>) target_semaphore(%run_scoped3A : memref<!tpu.dma_semaphore, #tpu.memory_space<semaphore_mem>>)
      %dma_wait3A_59 = arith.constant 0 : i32
      %dma_wait3A_60 = tpu.memref_slice %arg5[%arg0, %mul3A_53, %dma_wait3A_59] : memref<2x10240x128xf32, #tpu.memory_space<hbm>> -> memref<1x640x128xf32, #tpu.memory_space<hbm>>
      %dma_wait3A_61 = tpu.memref_squeeze %dma_wait3A_60 : memref<1x640x128xf32, #tpu.memory_space<hbm>> -> memref<640x128xf32, #tpu.memory_space<hbm>>
      %dma_wait3A_62 = arith.constant 0 : i32
      %dma_wait3A_63 = tpu.memref_slice %arg12[%mul3A_51, %dma_wait3A_62] : memref<10240x128xf32, #tpu.memory_space<vmem_shared>> -> memref<640x128xf32, #tpu.memory_space<vmem_shared>>
      tpu.wait_dma2 semaphore(%run_scoped3A : memref<!tpu.dma_semaphore, #tpu.memory_space<semaphore_mem>>) src(%dma_wait3A_63 : memref<640x128xf32, #tpu.memory_space<vmem_shared>>) dst(%dma_wait3A_61 : memref<640x128xf32, #tpu.memory_space<hbm>>)
      tpu.yield
    }) : () -> ()
    return
  }
}

#map = affine_map<(d0, d1) -> (0)>
#map1 = affine_map<(d0, d1) -> (0, 0)>
module attributes {stable_mosaic.version = 14 : i64} {
  func.func @_deg_body(%arg0: i32, %arg1: i32, %arg2: memref<323584xi32, #tpu.memory_space<hbm>>, %arg3: memref<2x10240xf32, #tpu.memory_space<hbm>>, %arg4: memref<128xi32, #tpu.memory_space<vmem>>, %arg5: memref<128xi32, #tpu.memory_space<vmem>>, %arg6: memref<128xf32, #tpu.memory_space<vmem>>, %arg7: memref<640xf32, #tpu.memory_space<vmem>>, %arg8: memref<10240xf32, #tpu.memory_space<vmem_shared>>, %arg9: memref<!tpu.dma_semaphore, #tpu.memory_space<semaphore_mem>>) attributes {dimension_semantics = [#tpu.dimension_semantics<core_parallel>, #tpu.dimension_semantics<subcore_parallel>], iteration_bounds = array<i64: 2, 16>, scalar_prefetch = 0 : i64, scratch_operands = 6 : i64, tpu.core_type = #tpu.core_type<sc_vector_subcore>, window_params = [{transform_indices = #map}, {transform_indices = #map1}]} {
    %broadcast_in_dim3A = arith.constant 0.000000e+00 : f32
    %broadcast_in_dim3A_0 = vector.broadcast %broadcast_in_dim3A : f32 to vector<16xf32>
    %broadcast_in_dim3A_1 = arith.constant 1.000000e+00 : f32
    %broadcast_in_dim3A_2 = vector.broadcast %broadcast_in_dim3A_1 : f32 to vector<16xf32>
    %swap3A = arith.constant 0 : index
    %swap3A_3 = tpu.vector_load %arg6[%swap3A] {strides = array<i32>} : memref<128xf32, #tpu.memory_space<vmem>>, vector<16xf32>,
    %swap3A_4 = vector.shape_cast %swap3A_3 : vector<16xf32> to vector<16xf32>
    %swap3A_5 = vector.shape_cast %broadcast_in_dim3A_2 : vector<16xf32> to vector<16xf32>
    tpu.vector_store %arg6[%swap3A], %swap3A_5 {strides = array<i32>} : memref<128xf32, #tpu.memory_space<vmem>>, vector<16xf32>,
    %swap3A_6 = arith.constant 16 : index
    %swap3A_7 = tpu.vector_load %arg6[%swap3A_6] {strides = array<i32>} : memref<128xf32, #tpu.memory_space<vmem>>, vector<16xf32>,
    %swap3A_8 = vector.shape_cast %swap3A_7 : vector<16xf32> to vector<16xf32>
    %swap3A_9 = vector.shape_cast %broadcast_in_dim3A_2 : vector<16xf32> to vector<16xf32>
    tpu.vector_store %arg6[%swap3A_6], %swap3A_9 {strides = array<i32>} : memref<128xf32, #tpu.memory_space<vmem>>, vector<16xf32>,
    %swap3A_10 = arith.constant 32 : index
    %swap3A_11 = tpu.vector_load %arg6[%swap3A_10] {strides = array<i32>} : memref<128xf32, #tpu.memory_space<vmem>>, vector<16xf32>,
    %swap3A_12 = vector.shape_cast %swap3A_11 : vector<16xf32> to vector<16xf32>
    %swap3A_13 = vector.shape_cast %broadcast_in_dim3A_2 : vector<16xf32> to vector<16xf32>
    tpu.vector_store %arg6[%swap3A_10], %swap3A_13 {strides = array<i32>} : memref<128xf32, #tpu.memory_space<vmem>>, vector<16xf32>,
    %swap3A_14 = arith.constant 48 : index
    %swap3A_15 = tpu.vector_load %arg6[%swap3A_14] {strides = array<i32>} : memref<128xf32, #tpu.memory_space<vmem>>, vector<16xf32>,
    %swap3A_16 = vector.shape_cast %swap3A_15 : vector<16xf32> to vector<16xf32>
    %swap3A_17 = vector.shape_cast %broadcast_in_dim3A_2 : vector<16xf32> to vector<16xf32>
    tpu.vector_store %arg6[%swap3A_14], %swap3A_17 {strides = array<i32>} : memref<128xf32, #tpu.memory_space<vmem>>, vector<16xf32>,
    %swap3A_18 = arith.constant 64 : index
    %swap3A_19 = tpu.vector_load %arg6[%swap3A_18] {strides = array<i32>} : memref<128xf32, #tpu.memory_space<vmem>>, vector<16xf32>,
    %swap3A_20 = vector.shape_cast %swap3A_19 : vector<16xf32> to vector<16xf32>
    %swap3A_21 = vector.shape_cast %broadcast_in_dim3A_2 : vector<16xf32> to vector<16xf32>
    tpu.vector_store %arg6[%swap3A_18], %swap3A_21 {strides = array<i32>} : memref<128xf32, #tpu.memory_space<vmem>>, vector<16xf32>,
    %swap3A_22 = arith.constant 80 : index
    %swap3A_23 = tpu.vector_load %arg6[%swap3A_22] {strides = array<i32>} : memref<128xf32, #tpu.memory_space<vmem>>, vector<16xf32>,
    %swap3A_24 = vector.shape_cast %swap3A_23 : vector<16xf32> to vector<16xf32>
    %swap3A_25 = vector.shape_cast %broadcast_in_dim3A_2 : vector<16xf32> to vector<16xf32>
    tpu.vector_store %arg6[%swap3A_22], %swap3A_25 {strides = array<i32>} : memref<128xf32, #tpu.memory_space<vmem>>, vector<16xf32>,
    %swap3A_26 = arith.constant 96 : index
    %swap3A_27 = tpu.vector_load %arg6[%swap3A_26] {strides = array<i32>} : memref<128xf32, #tpu.memory_space<vmem>>, vector<16xf32>,
    %swap3A_28 = vector.shape_cast %swap3A_27 : vector<16xf32> to vector<16xf32>
    %swap3A_29 = vector.shape_cast %broadcast_in_dim3A_2 : vector<16xf32> to vector<16xf32>
    tpu.vector_store %arg6[%swap3A_26], %swap3A_29 {strides = array<i32>} : memref<128xf32, #tpu.memory_space<vmem>>, vector<16xf32>,
    %swap3A_30 = arith.constant 112 : index
    %swap3A_31 = tpu.vector_load %arg6[%swap3A_30] {strides = array<i32>} : memref<128xf32, #tpu.memory_space<vmem>>, vector<16xf32>,
    %swap3A_32 = vector.shape_cast %swap3A_31 : vector<16xf32> to vector<16xf32>
    %swap3A_33 = vector.shape_cast %broadcast_in_dim3A_2 : vector<16xf32> to vector<16xf32>
    tpu.vector_store %arg6[%swap3A_30], %swap3A_33 {strides = array<i32>} : memref<128xf32, #tpu.memory_space<vmem>>, vector<16xf32>,
    %scan3A = arith.constant 0 : i32
    %scan3A_34 = arith.constant 0 : i32
    %scan3A_35 = arith.constant 40 : i32
    %scan3A_36 = arith.addi %scan3A_34, %scan3A_35 : i32
    %scan3A_37 = arith.constant 1 : i32
    scf.for %scan3A_61 = %scan3A_34 to %scan3A_36 step %scan3A_37  : i32 {
      %mul3A_62 = arith.constant 16 : i32
      %mul3A_63 = arith.muli %scan3A_61, %mul3A_62 : i32
      %swap3A_64 = arith.index_cast %mul3A_63 : i32 to index
      %swap3A_65 = tpu.vector_load %arg7[%swap3A_64] {strides = array<i32>} : memref<640xf32, #tpu.memory_space<vmem>>, vector<16xf32>,
      %swap3A_66 = vector.shape_cast %swap3A_65 : vector<16xf32> to vector<16xf32>
      %swap3A_67 = vector.shape_cast %broadcast_in_dim3A_0 : vector<16xf32> to vector<16xf32>
      tpu.vector_store %arg7[%swap3A_64], %swap3A_67 {strides = array<i32>} : memref<640xf32, #tpu.memory_space<vmem>>, vector<16xf32>,
    }
    %scan3A_38 = arith.constant 40 : i32
    %mul3A = arith.constant 640 : i32
    %mul3A_39 = arith.muli %arg1, %mul3A : i32
    "tpu.region"() ({
      %run_scoped3A = tpu.sem_alloc : memref<!tpu.dma_semaphore, #tpu.memory_space<semaphore_mem>>
      %dma_start3A_61 = tpu.memref_slice %arg8[%mul3A_39] : memref<10240xf32, #tpu.memory_space<vmem_shared>> -> memref<640xf32, #tpu.memory_space<vmem_shared>>
      %dma_start3A_62 = tpu.memref_slice %arg8[%mul3A_39] : memref<10240xf32, #tpu.memory_space<vmem_shared>> -> memref<640xf32, #tpu.memory_space<vmem_shared>>
      tpu.enqueue_dma source(%arg7 : memref<640xf32, #tpu.memory_space<vmem>>) target(%dma_start3A_62 : memref<640xf32, #tpu.memory_space<vmem_shared>>) target_semaphore(%run_scoped3A : memref<!tpu.dma_semaphore, #tpu.memory_space<semaphore_mem>>)
      %dma_wait3A_63 = tpu.memref_slice %arg8[%mul3A_39] : memref<10240xf32, #tpu.memory_space<vmem_shared>> -> memref<640xf32, #tpu.memory_space<vmem_shared>>
      %dma_wait3A_64 = tpu.memref_slice %arg8[%mul3A_39] : memref<10240xf32, #tpu.memory_space<vmem_shared>> -> memref<640xf32, #tpu.memory_space<vmem_shared>>
      tpu.wait_dma2 semaphore(%run_scoped3A : memref<!tpu.dma_semaphore, #tpu.memory_space<semaphore_mem>>) src(%arg7 : memref<640xf32, #tpu.memory_space<vmem>>) dst(%dma_wait3A_64 : memref<640xf32, #tpu.memory_space<vmem_shared>>)
      tpu.yield
    }) : () -> ()
    %barrier3A = arith.constant 0 : index
    tpu.barrier barrier_id(%barrier3A)
    %mul3A_40 = arith.constant 16 : i32
    %mul3A_41 = arith.muli %arg0, %mul3A_40 : i32
    %add3A = arith.addi %mul3A_41, %arg1 : i32
    %mul3A_42 = arith.constant 79 : i32
    %mul3A_43 = arith.muli %add3A, %mul3A_42 : i32
    %mul3A_44 = arith.constant 128 : i32
    %mul3A_45 = arith.muli %mul3A_43, %mul3A_44 : i32
    %dma_start3A = tpu.memref_slice %arg2[%mul3A_45] : memref<323584xi32, #tpu.memory_space<hbm>> -> memref<128xi32, #tpu.memory_space<hbm>>
    %dma_start3A_46 = tpu.memref_slice %arg2[%mul3A_45] : memref<323584xi32, #tpu.memory_space<hbm>> -> memref<128xi32, #tpu.memory_space<hbm>>
    tpu.enqueue_dma source(%dma_start3A_46 : memref<128xi32, #tpu.memory_space<hbm>>) target(%arg4 : memref<128xi32, #tpu.memory_space<vmem>>) target_semaphore(%arg9 : memref<!tpu.dma_semaphore, #tpu.memory_space<semaphore_mem>>)
    %scan3A_47 = arith.constant 0 : i32
    %scan3A_48 = arith.constant 0 : i32
    %scan3A_49 = arith.constant 39 : i32
    %scan3A_50 = arith.addi %scan3A_48, %scan3A_49 : i32
    %scan3A_51 = arith.constant 1 : i32
    scf.for %scan3A_61 = %scan3A_48 to %scan3A_50 step %scan3A_51  : i32 {
      %mul3A_62 = arith.constant 2 : i32
      %mul3A_63 = arith.muli %mul3A_62, %scan3A_61 : i32
      %add3A_64 = arith.addi %mul3A_43, %mul3A_63 : i32
      %add3A_65 = arith.constant 1 : i32
      %add3A_66 = arith.addi %add3A_64, %add3A_65 : i32
      %mul3A_67 = arith.constant 128 : i32
      %mul3A_68 = arith.muli %add3A_66, %mul3A_67 : i32
      %dma_wait3A_69 = arith.constant 0 : i32
      %dma_wait3A_70 = tpu.memref_slice %arg2[%dma_wait3A_69] : memref<323584xi32, #tpu.memory_space<hbm>> -> memref<128xi32, #tpu.memory_space<hbm>>
      %dma_wait3A_71 = arith.constant 0 : i32
      %dma_wait3A_72 = tpu.memref_slice %arg2[%dma_wait3A_71] : memref<323584xi32, #tpu.memory_space<hbm>> -> memref<128xi32, #tpu.memory_space<hbm>>
      tpu.wait_dma2 semaphore(%arg9 : memref<!tpu.dma_semaphore, #tpu.memory_space<semaphore_mem>>) src(%dma_wait3A_72 : memref<128xi32, #tpu.memory_space<hbm>>) dst(%arg4 : memref<128xi32, #tpu.memory_space<vmem>>)
      %dma_start3A_73 = tpu.memref_slice %arg2[%mul3A_68] : memref<323584xi32, #tpu.memory_space<hbm>> -> memref<128xi32, #tpu.memory_space<hbm>>
      %dma_start3A_74 = tpu.memref_slice %arg2[%mul3A_68] : memref<323584xi32, #tpu.memory_space<hbm>> -> memref<128xi32, #tpu.memory_space<hbm>>
      tpu.enqueue_dma source(%dma_start3A_74 : memref<128xi32, #tpu.memory_space<hbm>>) target(%arg5 : memref<128xi32, #tpu.memory_space<vmem>>) target_semaphore(%arg9 : memref<!tpu.dma_semaphore, #tpu.memory_space<semaphore_mem>>)
      "tpu.region"() ({
        %run_scoped3A = tpu.sem_alloc : memref<!tpu.dma_semaphore, #tpu.memory_space<semaphore_mem>>
        %dma_start3A_83 = arith.constant 0 : i32
        %dma_start3A_84 = tpu.memref_slice %arg8[%dma_start3A_83] : memref<10240xf32, #tpu.memory_space<vmem_shared>> -> memref<10240xf32, #tpu.memory_space<vmem_shared>>
        tpu.enqueue_indirect_dma source(%arg6 : memref<128xf32, #tpu.memory_space<vmem>>) target(%dma_start3A_84 : memref<10240xf32, #tpu.memory_space<vmem_shared>>) offsets(%arg4 : memref<128xi32, #tpu.memory_space<vmem>>) semaphore(%run_scoped3A : memref<!tpu.dma_semaphore, #tpu.memory_space<semaphore_mem>>) {add = true}
        %dma_wait3A_85 = arith.constant 0 : i32
        %dma_wait3A_86 = tpu.memref_slice %arg8[%dma_wait3A_85] : memref<10240xf32, #tpu.memory_space<vmem_shared>> -> memref<10240xf32, #tpu.memory_space<vmem_shared>>
        tpu.wait_indirect_dma semaphore(%run_scoped3A : memref<!tpu.dma_semaphore, #tpu.memory_space<semaphore_mem>>) src(%arg6 : memref<128xf32, #tpu.memory_space<vmem>>) dst(%dma_wait3A_86 : memref<10240xf32, #tpu.memory_space<vmem_shared>>)
        tpu.yield
      }) : () -> ()
      %dma_wait3A_75 = arith.constant 0 : i32
      %dma_wait3A_76 = tpu.memref_slice %arg2[%dma_wait3A_75] : memref<323584xi32, #tpu.memory_space<hbm>> -> memref<128xi32, #tpu.memory_space<hbm>>
      %dma_wait3A_77 = arith.constant 0 : i32
      %dma_wait3A_78 = tpu.memref_slice %arg2[%dma_wait3A_77] : memref<323584xi32, #tpu.memory_space<hbm>> -> memref<128xi32, #tpu.memory_space<hbm>>
      tpu.wait_dma2 semaphore(%arg9 : memref<!tpu.dma_semaphore, #tpu.memory_space<semaphore_mem>>) src(%dma_wait3A_78 : memref<128xi32, #tpu.memory_space<hbm>>) dst(%arg5 : memref<128xi32, #tpu.memory_space<vmem>>)
      %add3A_79 = arith.constant 128 : i32
      %add3A_80 = arith.addi %mul3A_68, %add3A_79 : i32
      %dma_start3A_81 = tpu.memref_slice %arg2[%add3A_80] : memref<323584xi32, #tpu.memory_space<hbm>> -> memref<128xi32, #tpu.memory_space<hbm>>
      %dma_start3A_82 = tpu.memref_slice %arg2[%add3A_80] : memref<323584xi32, #tpu.memory_space<hbm>> -> memref<128xi32, #tpu.memory_space<hbm>>
      tpu.enqueue_dma source(%dma_start3A_82 : memref<128xi32, #tpu.memory_space<hbm>>) target(%arg4 : memref<128xi32, #tpu.memory_space<vmem>>) target_semaphore(%arg9 : memref<!tpu.dma_semaphore, #tpu.memory_space<semaphore_mem>>)
      "tpu.region"() ({
        %run_scoped3A = tpu.sem_alloc : memref<!tpu.dma_semaphore, #tpu.memory_space<semaphore_mem>>
        %dma_start3A_83 = arith.constant 0 : i32
        %dma_start3A_84 = tpu.memref_slice %arg8[%dma_start3A_83] : memref<10240xf32, #tpu.memory_space<vmem_shared>> -> memref<10240xf32, #tpu.memory_space<vmem_shared>>
        tpu.enqueue_indirect_dma source(%arg6 : memref<128xf32, #tpu.memory_space<vmem>>) target(%dma_start3A_84 : memref<10240xf32, #tpu.memory_space<vmem_shared>>) offsets(%arg5 : memref<128xi32, #tpu.memory_space<vmem>>) semaphore(%run_scoped3A : memref<!tpu.dma_semaphore, #tpu.memory_space<semaphore_mem>>) {add = true}
        %dma_wait3A_85 = arith.constant 0 : i32
        %dma_wait3A_86 = tpu.memref_slice %arg8[%dma_wait3A_85] : memref<10240xf32, #tpu.memory_space<vmem_shared>> -> memref<10240xf32, #tpu.memory_space<vmem_shared>>
        tpu.wait_indirect_dma semaphore(%run_scoped3A : memref<!tpu.dma_semaphore, #tpu.memory_space<semaphore_mem>>) src(%arg6 : memref<128xf32, #tpu.memory_space<vmem>>) dst(%dma_wait3A_86 : memref<10240xf32, #tpu.memory_space<vmem_shared>>)
        tpu.yield
      }) : () -> ()
    }
    %scan3A_52 = arith.constant 39 : i32
    %dma_wait3A = arith.constant 0 : i32
    %dma_wait3A_53 = tpu.memref_slice %arg2[%dma_wait3A] : memref<323584xi32, #tpu.memory_space<hbm>> -> memref<128xi32, #tpu.memory_space<hbm>>
    %dma_wait3A_54 = arith.constant 0 : i32
    %dma_wait3A_55 = tpu.memref_slice %arg2[%dma_wait3A_54] : memref<323584xi32, #tpu.memory_space<hbm>> -> memref<128xi32, #tpu.memory_space<hbm>>
    tpu.wait_dma2 semaphore(%arg9 : memref<!tpu.dma_semaphore, #tpu.memory_space<semaphore_mem>>) src(%dma_wait3A_55 : memref<128xi32, #tpu.memory_space<hbm>>) dst(%arg4 : memref<128xi32, #tpu.memory_space<vmem>>)
    "tpu.region"() ({
      %run_scoped3A = tpu.sem_alloc : memref<!tpu.dma_semaphore, #tpu.memory_space<semaphore_mem>>
      %dma_start3A_61 = arith.constant 0 : i32
      %dma_start3A_62 = tpu.memref_slice %arg8[%dma_start3A_61] : memref<10240xf32, #tpu.memory_space<vmem_shared>> -> memref<10240xf32, #tpu.memory_space<vmem_shared>>
      tpu.enqueue_indirect_dma source(%arg6 : memref<128xf32, #tpu.memory_space<vmem>>) target(%dma_start3A_62 : memref<10240xf32, #tpu.memory_space<vmem_shared>>) offsets(%arg4 : memref<128xi32, #tpu.memory_space<vmem>>) semaphore(%run_scoped3A : memref<!tpu.dma_semaphore, #tpu.memory_space<semaphore_mem>>) {add = true}
      %dma_wait3A_63 = arith.constant 0 : i32
      %dma_wait3A_64 = tpu.memref_slice %arg8[%dma_wait3A_63] : memref<10240xf32, #tpu.memory_space<vmem_shared>> -> memref<10240xf32, #tpu.memory_space<vmem_shared>>
      tpu.wait_indirect_dma semaphore(%run_scoped3A : memref<!tpu.dma_semaphore, #tpu.memory_space<semaphore_mem>>) src(%arg6 : memref<128xf32, #tpu.memory_space<vmem>>) dst(%dma_wait3A_64 : memref<10240xf32, #tpu.memory_space<vmem_shared>>)
      tpu.yield
    }) : () -> ()
    %barrier3A_56 = arith.constant 0 : index
    tpu.barrier barrier_id(%barrier3A_56)
    %mul3A_57 = arith.constant 640 : i32
    %mul3A_58 = arith.muli %arg1, %mul3A_57 : i32
    %mul3A_59 = arith.constant 640 : i32
    %mul3A_60 = arith.muli %arg1, %mul3A_59 : i32
    "tpu.region"() ({
      %run_scoped3A = tpu.sem_alloc : memref<!tpu.dma_semaphore, #tpu.memory_space<semaphore_mem>>
      %dma_start3A_61 = tpu.memref_slice %arg3[%arg0, %mul3A_60] : memref<2x10240xf32, #tpu.memory_space<hbm>> -> memref<1x640xf32, #tpu.memory_space<hbm>>
      %dma_start3A_62 = tpu.memref_squeeze %dma_start3A_61 : memref<1x640xf32, #tpu.memory_space<hbm>> -> memref<640xf32, #tpu.memory_space<hbm>>
      %dma_start3A_63 = tpu.memref_slice %arg8[%mul3A_58] : memref<10240xf32, #tpu.memory_space<vmem_shared>> -> memref<640xf32, #tpu.memory_space<vmem_shared>>
      tpu.enqueue_dma source(%dma_start3A_63 : memref<640xf32, #tpu.memory_space<vmem_shared>>) target(%dma_start3A_62 : memref<640xf32, #tpu.memory_space<hbm>>) target_semaphore(%run_scoped3A : memref<!tpu.dma_semaphore, #tpu.memory_space<semaphore_mem>>)
      %dma_wait3A_64 = tpu.memref_slice %arg3[%arg0, %mul3A_60] : memref<2x10240xf32, #tpu.memory_space<hbm>> -> memref<1x640xf32, #tpu.memory_space<hbm>>
      %dma_wait3A_65 = tpu.memref_squeeze %dma_wait3A_64 : memref<1x640xf32, #tpu.memory_space<hbm>> -> memref<640xf32, #tpu.memory_space<hbm>>
      %dma_wait3A_66 = tpu.memref_slice %arg8[%mul3A_58] : memref<10240xf32, #tpu.memory_space<vmem_shared>> -> memref<640xf32, #tpu.memory_space<vmem_shared>>
      tpu.wait_dma2 semaphore(%run_scoped3A : memref<!tpu.dma_semaphore, #tpu.memory_space<semaphore_mem>>) src(%dma_wait3A_66 : memref<640xf32, #tpu.memory_space<vmem_shared>>) dst(%dma_wait3A_65 : memref<640xf32, #tpu.memory_space<hbm>>)
      tpu.yield
    }) : () -> ()
    return
  }
}

#map = affine_map<(d0, d1) -> (0, 0)>
#map1 = affine_map<(d0, d1) -> (0)>
#map2 = affine_map<(d0, d1) -> (0, 0, 0)>
module attributes {stable_mosaic.version = 14 : i64} {
  func.func @_edge_body(%arg0: i32, %arg1: i32, %arg2: memref<10000x128xf32, #tpu.memory_space<hbm>>, %arg3: memref<323584xi32, #tpu.memory_space<hbm>>, %arg4: memref<323584xi32, #tpu.memory_space<hbm>>, %arg5: memref<2x10240x128xf32, #tpu.memory_space<hbm>>, %arg6: memref<128xi32, #tpu.memory_space<vmem>>, %arg7: memref<128xi32, #tpu.memory_space<vmem>>, %arg8: memref<128xi32, #tpu.memory_space<vmem>>, %arg9: memref<128xi32, #tpu.memory_space<vmem>>, %arg10: memref<128x128xf32, #tpu.memory_space<vmem>>, %arg11: memref<128x128xf32, #tpu.memory_space<vmem>>, %arg12: memref<10240x128xf32, #tpu.memory_space<vmem_shared>>, %arg13: memref<!tpu.dma_semaphore, #tpu.memory_space<semaphore_mem>>, %arg14: memref<!tpu.dma_semaphore, #tpu.memory_space<semaphore_mem>>) attributes {dimension_semantics = [#tpu.dimension_semantics<core_parallel>, #tpu.dimension_semantics<subcore_parallel>], iteration_bounds = array<i64: 2, 16>, scalar_prefetch = 0 : i64, scratch_operands = 9 : i64, tpu.core_type = #tpu.core_type<sc_vector_subcore>, window_params = [{transform_indices = #map}, {transform_indices = #map1}, {transform_indices = #map1}, {transform_indices = #map2}]} {
    %broadcast_in_dim3A = arith.constant 0.000000e+00 : f32
    %broadcast_in_dim3A_0 = vector.broadcast %broadcast_in_dim3A : f32 to vector<16xf32>
    %scan3A = arith.constant 0 : i32
    %scan3A_1 = arith.constant 0 : i32
    %scan3A_2 = arith.constant 128 : i32
    %scan3A_3 = arith.addi %scan3A_1, %scan3A_2 : i32
    %scan3A_4 = arith.constant 1 : i32
    scf.for %scan3A_54 = %scan3A_1 to %scan3A_3 step %scan3A_4  : i32 {
      %swap3A = arith.index_cast %scan3A_54 : i32 to index
      %swap3A_55 = arith.constant 0 : index
      %swap3A_56 = tpu.vector_load %arg10[%swap3A, %swap3A_55] {strides = array<i32>} : memref<128x128xf32, #tpu.memory_space<vmem>>, vector<1x16xf32>,
      %swap3A_57 = vector.shape_cast %swap3A_56 : vector<1x16xf32> to vector<16xf32>
      %swap3A_58 = vector.shape_cast %broadcast_in_dim3A_0 : vector<16xf32> to vector<1x16xf32>
      tpu.vector_store %arg10[%swap3A, %swap3A_55], %swap3A_58 {strides = array<i32>} : memref<128x128xf32, #tpu.memory_space<vmem>>, vector<1x16xf32>,
      %swap3A_59 = arith.index_cast %scan3A_54 : i32 to index
      %swap3A_60 = arith.constant 16 : index
      %swap3A_61 = tpu.vector_load %arg10[%swap3A_59, %swap3A_60] {strides = array<i32>} : memref<128x128xf32, #tpu.memory_space<vmem>>, vector<1x16xf32>,
      %swap3A_62 = vector.shape_cast %swap3A_61 : vector<1x16xf32> to vector<16xf32>
      %swap3A_63 = vector.shape_cast %broadcast_in_dim3A_0 : vector<16xf32> to vector<1x16xf32>
      tpu.vector_store %arg10[%swap3A_59, %swap3A_60], %swap3A_63 {strides = array<i32>} : memref<128x128xf32, #tpu.memory_space<vmem>>, vector<1x16xf32>,
      %swap3A_64 = arith.index_cast %scan3A_54 : i32 to index
      %swap3A_65 = arith.constant 32 : index
      %swap3A_66 = tpu.vector_load %arg10[%swap3A_64, %swap3A_65] {strides = array<i32>} : memref<128x128xf32, #tpu.memory_space<vmem>>, vector<1x16xf32>,
      %swap3A_67 = vector.shape_cast %swap3A_66 : vector<1x16xf32> to vector<16xf32>
      %swap3A_68 = vector.shape_cast %broadcast_in_dim3A_0 : vector<16xf32> to vector<1x16xf32>
      tpu.vector_store %arg10[%swap3A_64, %swap3A_65], %swap3A_68 {strides = array<i32>} : memref<128x128xf32, #tpu.memory_space<vmem>>, vector<1x16xf32>,
      %swap3A_69 = arith.index_cast %scan3A_54 : i32 to index
      %swap3A_70 = arith.constant 48 : index
      %swap3A_71 = tpu.vector_load %arg10[%swap3A_69, %swap3A_70] {strides = array<i32>} : memref<128x128xf32, #tpu.memory_space<vmem>>, vector<1x16xf32>,
      %swap3A_72 = vector.shape_cast %swap3A_71 : vector<1x16xf32> to vector<16xf32>
      %swap3A_73 = vector.shape_cast %broadcast_in_dim3A_0 : vector<16xf32> to vector<1x16xf32>
      tpu.vector_store %arg10[%swap3A_69, %swap3A_70], %swap3A_73 {strides = array<i32>} : memref<128x128xf32, #tpu.memory_space<vmem>>, vector<1x16xf32>,
      %swap3A_74 = arith.index_cast %scan3A_54 : i32 to index
      %swap3A_75 = arith.constant 64 : index
      %swap3A_76 = tpu.vector_load %arg10[%swap3A_74, %swap3A_75] {strides = array<i32>} : memref<128x128xf32, #tpu.memory_space<vmem>>, vector<1x16xf32>,
      %swap3A_77 = vector.shape_cast %swap3A_76 : vector<1x16xf32> to vector<16xf32>
      %swap3A_78 = vector.shape_cast %broadcast_in_dim3A_0 : vector<16xf32> to vector<1x16xf32>
      tpu.vector_store %arg10[%swap3A_74, %swap3A_75], %swap3A_78 {strides = array<i32>} : memref<128x128xf32, #tpu.memory_space<vmem>>, vector<1x16xf32>,
      %swap3A_79 = arith.index_cast %scan3A_54 : i32 to index
      %swap3A_80 = arith.constant 80 : index
      %swap3A_81 = tpu.vector_load %arg10[%swap3A_79, %swap3A_80] {strides = array<i32>} : memref<128x128xf32, #tpu.memory_space<vmem>>, vector<1x16xf32>,
      %swap3A_82 = vector.shape_cast %swap3A_81 : vector<1x16xf32> to vector<16xf32>
      %swap3A_83 = vector.shape_cast %broadcast_in_dim3A_0 : vector<16xf32> to vector<1x16xf32>
      tpu.vector_store %arg10[%swap3A_79, %swap3A_80], %swap3A_83 {strides = array<i32>} : memref<128x128xf32, #tpu.memory_space<vmem>>, vector<1x16xf32>,
      %swap3A_84 = arith.index_cast %scan3A_54 : i32 to index
      %swap3A_85 = arith.constant 96 : index
      %swap3A_86 = tpu.vector_load %arg10[%swap3A_84, %swap3A_85] {strides = array<i32>} : memref<128x128xf32, #tpu.memory_space<vmem>>, vector<1x16xf32>,
      %swap3A_87 = vector.shape_cast %swap3A_86 : vector<1x16xf32> to vector<16xf32>
      %swap3A_88 = vector.shape_cast %broadcast_in_dim3A_0 : vector<16xf32> to vector<1x16xf32>
      tpu.vector_store %arg10[%swap3A_84, %swap3A_85], %swap3A_88 {strides = array<i32>} : memref<128x128xf32, #tpu.memory_space<vmem>>, vector<1x16xf32>,
      %swap3A_89 = arith.index_cast %scan3A_54 : i32 to index
      %swap3A_90 = arith.constant 112 : index
      %swap3A_91 = tpu.vector_load %arg10[%swap3A_89, %swap3A_90] {strides = array<i32>} : memref<128x128xf32, #tpu.memory_space<vmem>>, vector<1x16xf32>,
      %swap3A_92 = vector.shape_cast %swap3A_91 : vector<1x16xf32> to vector<16xf32>
      %swap3A_93 = vector.shape_cast %broadcast_in_dim3A_0 : vector<16xf32> to vector<1x16xf32>
      tpu.vector_store %arg10[%swap3A_89, %swap3A_90], %swap3A_93 {strides = array<i32>} : memref<128x128xf32, #tpu.memory_space<vmem>>, vector<1x16xf32>,
    }
    %scan3A_5 = arith.constant 128 : i32
    %mul3A = arith.constant 640 : i32
    %mul3A_6 = arith.muli %arg1, %mul3A : i32
    %add3A = arith.constant 0 : i32
    %add3A_7 = arith.addi %mul3A_6, %add3A : i32
    "tpu.region"() ({
      %run_scoped3A = tpu.sem_alloc : memref<!tpu.dma_semaphore, #tpu.memory_space<semaphore_mem>>
      %dma_start3A_54 = arith.constant 0 : i32
      %dma_start3A_55 = tpu.memref_slice %arg12[%add3A_7, %dma_start3A_54] : memref<10240x128xf32, #tpu.memory_space<vmem_shared>> -> memref<128x128xf32, #tpu.memory_space<vmem_shared>>
      %dma_start3A_56 = arith.constant 0 : i32
      %dma_start3A_57 = tpu.memref_slice %arg12[%add3A_7, %dma_start3A_56] : memref<10240x128xf32, #tpu.memory_space<vmem_shared>> -> memref<128x128xf32, #tpu.memory_space<vmem_shared>>
      tpu.enqueue_dma source(%arg10 : memref<128x128xf32, #tpu.memory_space<vmem>>) target(%dma_start3A_57 : memref<128x128xf32, #tpu.memory_space<vmem_shared>>) target_semaphore(%run_scoped3A : memref<!tpu.dma_semaphore, #tpu.memory_space<semaphore_mem>>)
      %dma_wait3A_58 = arith.constant 0 : i32
      %dma_wait3A_59 = tpu.memref_slice %arg12[%add3A_7, %dma_wait3A_58] : memref<10240x128xf32, #tpu.memory_space<vmem_shared>> -> memref<128x128xf32, #tpu.memory_space<vmem_shared>>
      %dma_wait3A_60 = arith.constant 0 : i32
      %dma_wait3A_61 = tpu.memref_slice %arg12[%add3A_7, %dma_wait3A_60] : memref<10240x128xf32, #tpu.memory_space<vmem_shared>> -> memref<128x128xf32, #tpu.memory_space<vmem_shared>>
      tpu.wait_dma2 semaphore(%run_scoped3A : memref<!tpu.dma_semaphore, #tpu.memory_space<semaphore_mem>>) src(%arg10 : memref<128x128xf32, #tpu.memory_space<vmem>>) dst(%dma_wait3A_61 : memref<128x128xf32, #tpu.memory_space<vmem_shared>>)
      tpu.yield
    }) : () -> ()
    %mul3A_8 = arith.constant 640 : i32
    %mul3A_9 = arith.muli %arg1, %mul3A_8 : i32
    %add3A_10 = arith.constant 128 : i32
    %add3A_11 = arith.addi %mul3A_9, %add3A_10 : i32
    "tpu.region"() ({
      %run_scoped3A = tpu.sem_alloc : memref<!tpu.dma_semaphore, #tpu.memory_space<semaphore_mem>>
      %dma_start3A_54 = arith.constant 0 : i32
      %dma_start3A_55 = tpu.memref_slice %arg12[%add3A_11, %dma_start3A_54] : memref<10240x128xf32, #tpu.memory_space<vmem_shared>> -> memref<128x128xf32, #tpu.memory_space<vmem_shared>>
      %dma_start3A_56 = arith.constant 0 : i32
      %dma_start3A_57 = tpu.memref_slice %arg12[%add3A_11, %dma_start3A_56] : memref<10240x128xf32, #tpu.memory_space<vmem_shared>> -> memref<128x128xf32, #tpu.memory_space<vmem_shared>>
      tpu.enqueue_dma source(%arg10 : memref<128x128xf32, #tpu.memory_space<vmem>>) target(%dma_start3A_57 : memref<128x128xf32, #tpu.memory_space<vmem_shared>>) target_semaphore(%run_scoped3A : memref<!tpu.dma_semaphore, #tpu.memory_space<semaphore_mem>>)
      %dma_wait3A_58 = arith.constant 0 : i32
      %dma_wait3A_59 = tpu.memref_slice %arg12[%add3A_11, %dma_wait3A_58] : memref<10240x128xf32, #tpu.memory_space<vmem_shared>> -> memref<128x128xf32, #tpu.memory_space<vmem_shared>>
      %dma_wait3A_60 = arith.constant 0 : i32
      %dma_wait3A_61 = tpu.memref_slice %arg12[%add3A_11, %dma_wait3A_60] : memref<10240x128xf32, #tpu.memory_space<vmem_shared>> -> memref<128x128xf32, #tpu.memory_space<vmem_shared>>
      tpu.wait_dma2 semaphore(%run_scoped3A : memref<!tpu.dma_semaphore, #tpu.memory_space<semaphore_mem>>) src(%arg10 : memref<128x128xf32, #tpu.memory_space<vmem>>) dst(%dma_wait3A_61 : memref<128x128xf32, #tpu.memory_space<vmem_shared>>)
      tpu.yield
    }) : () -> ()
    %mul3A_12 = arith.constant 640 : i32
    %mul3A_13 = arith.muli %arg1, %mul3A_12 : i32
    %add3A_14 = arith.constant 256 : i32
    %add3A_15 = arith.addi %mul3A_13, %add3A_14 : i32
    "tpu.region"() ({
      %run_scoped3A = tpu.sem_alloc : memref<!tpu.dma_semaphore, #tpu.memory_space<semaphore_mem>>
      %dma_start3A_54 = arith.constant 0 : i32
      %dma_start3A_55 = tpu.memref_slice %arg12[%add3A_15, %dma_start3A_54] : memref<10240x128xf32, #tpu.memory_space<vmem_shared>> -> memref<128x128xf32, #tpu.memory_space<vmem_shared>>
      %dma_start3A_56 = arith.constant 0 : i32
      %dma_start3A_57 = tpu.memref_slice %arg12[%add3A_15, %dma_start3A_56] : memref<10240x128xf32, #tpu.memory_space<vmem_shared>> -> memref<128x128xf32, #tpu.memory_space<vmem_shared>>
      tpu.enqueue_dma source(%arg10 : memref<128x128xf32, #tpu.memory_space<vmem>>) target(%dma_start3A_57 : memref<128x128xf32, #tpu.memory_space<vmem_shared>>) target_semaphore(%run_scoped3A : memref<!tpu.dma_semaphore, #tpu.memory_space<semaphore_mem>>)
      %dma_wait3A_58 = arith.constant 0 : i32
      %dma_wait3A_59 = tpu.memref_slice %arg12[%add3A_15, %dma_wait3A_58] : memref<10240x128xf32, #tpu.memory_space<vmem_shared>> -> memref<128x128xf32, #tpu.memory_space<vmem_shared>>
      %dma_wait3A_60 = arith.constant 0 : i32
      %dma_wait3A_61 = tpu.memref_slice %arg12[%add3A_15, %dma_wait3A_60] : memref<10240x128xf32, #tpu.memory_space<vmem_shared>> -> memref<128x128xf32, #tpu.memory_space<vmem_shared>>
      tpu.wait_dma2 semaphore(%run_scoped3A : memref<!tpu.dma_semaphore, #tpu.memory_space<semaphore_mem>>) src(%arg10 : memref<128x128xf32, #tpu.memory_space<vmem>>) dst(%dma_wait3A_61 : memref<128x128xf32, #tpu.memory_space<vmem_shared>>)
      tpu.yield
    }) : () -> ()
    %mul3A_16 = arith.constant 640 : i32
    %mul3A_17 = arith.muli %arg1, %mul3A_16 : i32
    %add3A_18 = arith.constant 384 : i32
    %add3A_19 = arith.addi %mul3A_17, %add3A_18 : i32
    "tpu.region"() ({
      %run_scoped3A = tpu.sem_alloc : memref<!tpu.dma_semaphore, #tpu.memory_space<semaphore_mem>>
      %dma_start3A_54 = arith.constant 0 : i32
      %dma_start3A_55 = tpu.memref_slice %arg12[%add3A_19, %dma_start3A_54] : memref<10240x128xf32, #tpu.memory_space<vmem_shared>> -> memref<128x128xf32, #tpu.memory_space<vmem_shared>>
      %dma_start3A_56 = arith.constant 0 : i32
      %dma_start3A_57 = tpu.memref_slice %arg12[%add3A_19, %dma_start3A_56] : memref<10240x128xf32, #tpu.memory_space<vmem_shared>> -> memref<128x128xf32, #tpu.memory_space<vmem_shared>>
      tpu.enqueue_dma source(%arg10 : memref<128x128xf32, #tpu.memory_space<vmem>>) target(%dma_start3A_57 : memref<128x128xf32, #tpu.memory_space<vmem_shared>>) target_semaphore(%run_scoped3A : memref<!tpu.dma_semaphore, #tpu.memory_space<semaphore_mem>>)
      %dma_wait3A_58 = arith.constant 0 : i32
      %dma_wait3A_59 = tpu.memref_slice %arg12[%add3A_19, %dma_wait3A_58] : memref<10240x128xf32, #tpu.memory_space<vmem_shared>> -> memref<128x128xf32, #tpu.memory_space<vmem_shared>>
      %dma_wait3A_60 = arith.constant 0 : i32
      %dma_wait3A_61 = tpu.memref_slice %arg12[%add3A_19, %dma_wait3A_60] : memref<10240x128xf32, #tpu.memory_space<vmem_shared>> -> memref<128x128xf32, #tpu.memory_space<vmem_shared>>
      tpu.wait_dma2 semaphore(%run_scoped3A : memref<!tpu.dma_semaphore, #tpu.memory_space<semaphore_mem>>) src(%arg10 : memref<128x128xf32, #tpu.memory_space<vmem>>) dst(%dma_wait3A_61 : memref<128x128xf32, #tpu.memory_space<vmem_shared>>)
      tpu.yield
    }) : () -> ()
    %mul3A_20 = arith.constant 640 : i32
    %mul3A_21 = arith.muli %arg1, %mul3A_20 : i32
    %add3A_22 = arith.constant 512 : i32
    %add3A_23 = arith.addi %mul3A_21, %add3A_22 : i32
    "tpu.region"() ({
      %run_scoped3A = tpu.sem_alloc : memref<!tpu.dma_semaphore, #tpu.memory_space<semaphore_mem>>
      %dma_start3A_54 = arith.constant 0 : i32
      %dma_start3A_55 = tpu.memref_slice %arg12[%add3A_23, %dma_start3A_54] : memref<10240x128xf32, #tpu.memory_space<vmem_shared>> -> memref<128x128xf32, #tpu.memory_space<vmem_shared>>
      %dma_start3A_56 = arith.constant 0 : i32
      %dma_start3A_57 = tpu.memref_slice %arg12[%add3A_23, %dma_start3A_56] : memref<10240x128xf32, #tpu.memory_space<vmem_shared>> -> memref<128x128xf32, #tpu.memory_space<vmem_shared>>
      tpu.enqueue_dma source(%arg10 : memref<128x128xf32, #tpu.memory_space<vmem>>) target(%dma_start3A_57 : memref<128x128xf32, #tpu.memory_space<vmem_shared>>) target_semaphore(%run_scoped3A : memref<!tpu.dma_semaphore, #tpu.memory_space<semaphore_mem>>)
      %dma_wait3A_58 = arith.constant 0 : i32
      %dma_wait3A_59 = tpu.memref_slice %arg12[%add3A_23, %dma_wait3A_58] : memref<10240x128xf32, #tpu.memory_space<vmem_shared>> -> memref<128x128xf32, #tpu.memory_space<vmem_shared>>
      %dma_wait3A_60 = arith.constant 0 : i32
      %dma_wait3A_61 = tpu.memref_slice %arg12[%add3A_23, %dma_wait3A_60] : memref<10240x128xf32, #tpu.memory_space<vmem_shared>> -> memref<128x128xf32, #tpu.memory_space<vmem_shared>>
      tpu.wait_dma2 semaphore(%run_scoped3A : memref<!tpu.dma_semaphore, #tpu.memory_space<semaphore_mem>>) src(%arg10 : memref<128x128xf32, #tpu.memory_space<vmem>>) dst(%dma_wait3A_61 : memref<128x128xf32, #tpu.memory_space<vmem_shared>>)
      tpu.yield
    }) : () -> ()
    %barrier3A = arith.constant 0 : index
    tpu.barrier barrier_id(%barrier3A)
    %mul3A_24 = arith.constant 16 : i32
    %mul3A_25 = arith.muli %arg0, %mul3A_24 : i32
    %add3A_26 = arith.addi %mul3A_25, %arg1 : i32
    %mul3A_27 = arith.constant 79 : i32
    %mul3A_28 = arith.muli %add3A_26, %mul3A_27 : i32
    %mul3A_29 = arith.constant 128 : i32
    %mul3A_30 = arith.muli %mul3A_28, %mul3A_29 : i32
    "tpu.region"() ({
      %run_scoped3A = tpu.sem_alloc : memref<!tpu.dma_semaphore, #tpu.memory_space<semaphore_mem>>
      %dma_start3A_54 = tpu.memref_slice %arg3[%mul3A_30] : memref<323584xi32, #tpu.memory_space<hbm>> -> memref<128xi32, #tpu.memory_space<hbm>>
      %dma_start3A_55 = tpu.memref_slice %arg3[%mul3A_30] : memref<323584xi32, #tpu.memory_space<hbm>> -> memref<128xi32, #tpu.memory_space<hbm>>
      tpu.enqueue_dma source(%dma_start3A_55 : memref<128xi32, #tpu.memory_space<hbm>>) target(%arg6 : memref<128xi32, #tpu.memory_space<vmem>>) target_semaphore(%run_scoped3A : memref<!tpu.dma_semaphore, #tpu.memory_space<semaphore_mem>>)
      %dma_wait3A_56 = tpu.memref_slice %arg3[%mul3A_30] : memref<323584xi32, #tpu.memory_space<hbm>> -> memref<128xi32, #tpu.memory_space<hbm>>
      %dma_wait3A_57 = tpu.memref_slice %arg3[%mul3A_30] : memref<323584xi32, #tpu.memory_space<hbm>> -> memref<128xi32, #tpu.memory_space<hbm>>
      tpu.wait_dma2 semaphore(%run_scoped3A : memref<!tpu.dma_semaphore, #tpu.memory_space<semaphore_mem>>) src(%dma_wait3A_57 : memref<128xi32, #tpu.memory_space<hbm>>) dst(%arg6 : memref<128xi32, #tpu.memory_space<vmem>>)
      tpu.yield
    }) : () -> ()
    %dma_start3A = arith.constant 0 : i32
    %dma_start3A_31 = arith.constant 0 : i32
    %dma_start3A_32 = tpu.memref_slice %arg2[%dma_start3A, %dma_start3A_31] : memref<10000x128xf32, #tpu.memory_space<hbm>> -> memref<10000x128xf32, #tpu.memory_space<hbm>>
    tpu.enqueue_indirect_dma source(%dma_start3A_32 : memref<10000x128xf32, #tpu.memory_space<hbm>>) target(%arg10 : memref<128x128xf32, #tpu.memory_space<vmem>>) offsets(%arg6 : memref<128xi32, #tpu.memory_space<vmem>>) semaphore(%arg13 : memref<!tpu.dma_semaphore, #tpu.memory_space<semaphore_mem>>)
    %mul3A_33 = arith.constant 128 : i32
    %mul3A_34 = arith.muli %mul3A_28, %mul3A_33 : i32
    %dma_start3A_35 = tpu.memref_slice %arg4[%mul3A_34] : memref<323584xi32, #tpu.memory_space<hbm>> -> memref<128xi32, #tpu.memory_space<hbm>>
    %dma_start3A_36 = tpu.memref_slice %arg4[%mul3A_34] : memref<323584xi32, #tpu.memory_space<hbm>> -> memref<128xi32, #tpu.memory_space<hbm>>
    tpu.enqueue_dma source(%dma_start3A_36 : memref<128xi32, #tpu.memory_space<hbm>>) target(%arg8 : memref<128xi32, #tpu.memory_space<vmem>>) target_semaphore(%arg14 : memref<!tpu.dma_semaphore, #tpu.memory_space<semaphore_mem>>)
    %scan3A_37 = arith.constant 0 : i32
    %scan3A_38 = arith.constant 0 : i32
    %scan3A_39 = arith.constant 39 : i32
    %scan3A_40 = arith.addi %scan3A_38, %scan3A_39 : i32
    %scan3A_41 = arith.constant 1 : i32
    scf.for %scan3A_54 = %scan3A_38 to %scan3A_40 step %scan3A_41  : i32 {
      %mul3A_55 = arith.constant 2 : i32
      %mul3A_56 = arith.muli %mul3A_55, %scan3A_54 : i32
      %add3A_57 = arith.addi %mul3A_28, %mul3A_56 : i32
      %add3A_58 = arith.constant 1 : i32
      %add3A_59 = arith.addi %add3A_57, %add3A_58 : i32
      %mul3A_60 = arith.constant 128 : i32
      %mul3A_61 = arith.muli %add3A_59, %mul3A_60 : i32
      "tpu.region"() ({
        %run_scoped3A = tpu.sem_alloc : memref<!tpu.dma_semaphore, #tpu.memory_space<semaphore_mem>>
        %dma_start3A_93 = tpu.memref_slice %arg3[%mul3A_61] : memref<323584xi32, #tpu.memory_space<hbm>> -> memref<128xi32, #tpu.memory_space<hbm>>
        %dma_start3A_94 = tpu.memref_slice %arg3[%mul3A_61] : memref<323584xi32, #tpu.memory_space<hbm>> -> memref<128xi32, #tpu.memory_space<hbm>>
        tpu.enqueue_dma source(%dma_start3A_94 : memref<128xi32, #tpu.memory_space<hbm>>) target(%arg7 : memref<128xi32, #tpu.memory_space<vmem>>) target_semaphore(%run_scoped3A : memref<!tpu.dma_semaphore, #tpu.memory_space<semaphore_mem>>)
        %dma_wait3A_95 = tpu.memref_slice %arg3[%mul3A_61] : memref<323584xi32, #tpu.memory_space<hbm>> -> memref<128xi32, #tpu.memory_space<hbm>>
        %dma_wait3A_96 = tpu.memref_slice %arg3[%mul3A_61] : memref<323584xi32, #tpu.memory_space<hbm>> -> memref<128xi32, #tpu.memory_space<hbm>>
        tpu.wait_dma2 semaphore(%run_scoped3A : memref<!tpu.dma_semaphore, #tpu.memory_space<semaphore_mem>>) src(%dma_wait3A_96 : memref<128xi32, #tpu.memory_space<hbm>>) dst(%arg7 : memref<128xi32, #tpu.memory_space<vmem>>)
        tpu.yield
      }) : () -> ()
      %dma_wait3A_62 = arith.constant 0 : i32
      %dma_wait3A_63 = arith.constant 0 : i32
      %dma_wait3A_64 = tpu.memref_slice %arg2[%dma_wait3A_62, %dma_wait3A_63] : memref<10000x128xf32, #tpu.memory_space<hbm>> -> memref<10000x128xf32, #tpu.memory_space<hbm>>
      tpu.wait_indirect_dma semaphore(%arg13 : memref<!tpu.dma_semaphore, #tpu.memory_space<semaphore_mem>>) src(%dma_wait3A_64 : memref<10000x128xf32, #tpu.memory_space<hbm>>) dst(%arg10 : memref<128x128xf32, #tpu.memory_space<vmem>>)
      %dma_start3A_65 = arith.constant 0 : i32
      %dma_start3A_66 = arith.constant 0 : i32
      %dma_start3A_67 = tpu.memref_slice %arg2[%dma_start3A_65, %dma_start3A_66] : memref<10000x128xf32, #tpu.memory_space<hbm>> -> memref<10000x128xf32, #tpu.memory_space<hbm>>
      tpu.enqueue_indirect_dma source(%dma_start3A_67 : memref<10000x128xf32, #tpu.memory_space<hbm>>) target(%arg11 : memref<128x128xf32, #tpu.memory_space<vmem>>) offsets(%arg7 : memref<128xi32, #tpu.memory_space<vmem>>) semaphore(%arg13 : memref<!tpu.dma_semaphore, #tpu.memory_space<semaphore_mem>>)
      %dma_start3A_68 = tpu.memref_slice %arg4[%mul3A_61] : memref<323584xi32, #tpu.memory_space<hbm>> -> memref<128xi32, #tpu.memory_space<hbm>>
      %dma_start3A_69 = tpu.memref_slice %arg4[%mul3A_61] : memref<323584xi32, #tpu.memory_space<hbm>> -> memref<128xi32, #tpu.memory_space<hbm>>
      tpu.enqueue_dma source(%dma_start3A_69 : memref<128xi32, #tpu.memory_space<hbm>>) target(%arg9 : memref<128xi32, #tpu.memory_space<vmem>>) target_semaphore(%arg14 : memref<!tpu.dma_semaphore, #tpu.memory_space<semaphore_mem>>)
      %dma_wait3A_70 = arith.constant 0 : i32
      %dma_wait3A_71 = tpu.memref_slice %arg4[%dma_wait3A_70] : memref<323584xi32, #tpu.memory_space<hbm>> -> memref<128xi32, #tpu.memory_space<hbm>>
      %dma_wait3A_72 = arith.constant 0 : i32
      %dma_wait3A_73 = tpu.memref_slice %arg4[%dma_wait3A_72] : memref<323584xi32, #tpu.memory_space<hbm>> -> memref<128xi32, #tpu.memory_space<hbm>>
      tpu.wait_dma2 semaphore(%arg14 : memref<!tpu.dma_semaphore, #tpu.memory_space<semaphore_mem>>) src(%dma_wait3A_73 : memref<128xi32, #tpu.memory_space<hbm>>) dst(%arg8 : memref<128xi32, #tpu.memory_space<vmem>>)
      "tpu.region"() ({
        %run_scoped3A = tpu.sem_alloc : memref<!tpu.dma_semaphore, #tpu.memory_space<semaphore_mem>>
        %dma_start3A_93 = arith.constant 0 : i32
        %dma_start3A_94 = arith.constant 0 : i32
        %dma_start3A_95 = tpu.memref_slice %arg12[%dma_start3A_93, %dma_start3A_94] : memref<10240x128xf32, #tpu.memory_space<vmem_shared>> -> memref<10240x128xf32, #tpu.memory_space<vmem_shared>>
        tpu.enqueue_indirect_dma source(%arg10 : memref<128x128xf32, #tpu.memory_space<vmem>>) target(%dma_start3A_95 : memref<10240x128xf32, #tpu.memory_space<vmem_shared>>) offsets(%arg8 : memref<128xi32, #tpu.memory_space<vmem>>) semaphore(%run_scoped3A : memref<!tpu.dma_semaphore, #tpu.memory_space<semaphore_mem>>) {add = true}
        %dma_wait3A_96 = arith.constant 0 : i32
        %dma_wait3A_97 = arith.constant 0 : i32
        %dma_wait3A_98 = tpu.memref_slice %arg12[%dma_wait3A_96, %dma_wait3A_97] : memref<10240x128xf32, #tpu.memory_space<vmem_shared>> -> memref<10240x128xf32, #tpu.memory_space<vmem_shared>>
        tpu.wait_indirect_dma semaphore(%run_scoped3A : memref<!tpu.dma_semaphore, #tpu.memory_space<semaphore_mem>>) src(%arg10 : memref<128x128xf32, #tpu.memory_space<vmem>>) dst(%dma_wait3A_98 : memref<10240x128xf32, #tpu.memory_space<vmem_shared>>)
        tpu.yield
      }) : () -> ()
      %mul3A_74 = arith.constant 2 : i32
      %mul3A_75 = arith.muli %mul3A_74, %scan3A_54 : i32
      %add3A_76 = arith.addi %mul3A_28, %mul3A_75 : i32
      %add3A_77 = arith.constant 2 : i32
      %add3A_78 = arith.addi %add3A_76, %add3A_77 : i32
      %mul3A_79 = arith.constant 128 : i32
      %mul3A_80 = arith.muli %add3A_78, %mul3A_79 : i32
      "tpu.region"() ({
        %run_scoped3A = tpu.sem_alloc : memref<!tpu.dma_semaphore, #tpu.memory_space<semaphore_mem>>
        %dma_start3A_93 = tpu.memref_slice %arg3[%mul3A_80] : memref<323584xi32, #tpu.memory_space<hbm>> -> memref<128xi32, #tpu.memory_space<hbm>>
        %dma_start3A_94 = tpu.memref_slice %arg3[%mul3A_80] : memref<323584xi32, #tpu.memory_space<hbm>> -> memref<128xi32, #tpu.memory_space<hbm>>
        tpu.enqueue_dma source(%dma_start3A_94 : memref<128xi32, #tpu.memory_space<hbm>>) target(%arg6 : memref<128xi32, #tpu.memory_space<vmem>>) target_semaphore(%run_scoped3A : memref<!tpu.dma_semaphore, #tpu.memory_space<semaphore_mem>>)
        %dma_wait3A_95 = tpu.memref_slice %arg3[%mul3A_80] : memref<323584xi32, #tpu.memory_space<hbm>> -> memref<128xi32, #tpu.memory_space<hbm>>
        %dma_wait3A_96 = tpu.memref_slice %arg3[%mul3A_80] : memref<323584xi32, #tpu.memory_space<hbm>> -> memref<128xi32, #tpu.memory_space<hbm>>
        tpu.wait_dma2 semaphore(%run_scoped3A : memref<!tpu.dma_semaphore, #tpu.memory_space<semaphore_mem>>) src(%dma_wait3A_96 : memref<128xi32, #tpu.memory_space<hbm>>) dst(%arg6 : memref<128xi32, #tpu.memory_space<vmem>>)
        tpu.yield
      }) : () -> ()
      %dma_wait3A_81 = arith.constant 0 : i32
      %dma_wait3A_82 = arith.constant 0 : i32
      %dma_wait3A_83 = tpu.memref_slice %arg2[%dma_wait3A_81, %dma_wait3A_82] : memref<10000x128xf32, #tpu.memory_space<hbm>> -> memref<10000x128xf32, #tpu.memory_space<hbm>>
      tpu.wait_indirect_dma semaphore(%arg13 : memref<!tpu.dma_semaphore, #tpu.memory_space<semaphore_mem>>) src(%dma_wait3A_83 : memref<10000x128xf32, #tpu.memory_space<hbm>>) dst(%arg11 : memref<128x128xf32, #tpu.memory_space<vmem>>)
      %dma_start3A_84 = arith.constant 0 : i32
      %dma_start3A_85 = arith.constant 0 : i32
      %dma_start3A_86 = tpu.memref_slice %arg2[%dma_start3A_84, %dma_start3A_85] : memref<10000x128xf32, #tpu.memory_space<hbm>> -> memref<10000x128xf32, #tpu.memory_space<hbm>>
      tpu.enqueue_indirect_dma source(%dma_start3A_86 : memref<10000x128xf32, #tpu.memory_space<hbm>>) target(%arg10 : memref<128x128xf32, #tpu.memory_space<vmem>>) offsets(%arg6 : memref<128xi32, #tpu.memory_space<vmem>>) semaphore(%arg13 : memref<!tpu.dma_semaphore, #tpu.memory_space<semaphore_mem>>)
      %dma_start3A_87 = tpu.memref_slice %arg4[%mul3A_80] : memref<323584xi32, #tpu.memory_space<hbm>> -> memref<128xi32, #tpu.memory_space<hbm>>
      %dma_start3A_88 = tpu.memref_slice %arg4[%mul3A_80] : memref<323584xi32, #tpu.memory_space<hbm>> -> memref<128xi32, #tpu.memory_space<hbm>>
      tpu.enqueue_dma source(%dma_start3A_88 : memref<128xi32, #tpu.memory_space<hbm>>) target(%arg8 : memref<128xi32, #tpu.memory_space<vmem>>) target_semaphore(%arg14 : memref<!tpu.dma_semaphore, #tpu.memory_space<semaphore_mem>>)
      %dma_wait3A_89 = arith.constant 0 : i32
      %dma_wait3A_90 = tpu.memref_slice %arg4[%dma_wait3A_89] : memref<323584xi32, #tpu.memory_space<hbm>> -> memref<128xi32, #tpu.memory_space<hbm>>
      %dma_wait3A_91 = arith.constant 0 : i32
      %dma_wait3A_92 = tpu.memref_slice %arg4[%dma_wait3A_91] : memref<323584xi32, #tpu.memory_space<hbm>> -> memref<128xi32, #tpu.memory_space<hbm>>
      tpu.wait_dma2 semaphore(%arg14 : memref<!tpu.dma_semaphore, #tpu.memory_space<semaphore_mem>>) src(%dma_wait3A_92 : memref<128xi32, #tpu.memory_space<hbm>>) dst(%arg9 : memref<128xi32, #tpu.memory_space<vmem>>)
      "tpu.region"() ({
        %run_scoped3A = tpu.sem_alloc : memref<!tpu.dma_semaphore, #tpu.memory_space<semaphore_mem>>
        %dma_start3A_93 = arith.constant 0 : i32
        %dma_start3A_94 = arith.constant 0 : i32
        %dma_start3A_95 = tpu.memref_slice %arg12[%dma_start3A_93, %dma_start3A_94] : memref<10240x128xf32, #tpu.memory_space<vmem_shared>> -> memref<10240x128xf32, #tpu.memory_space<vmem_shared>>
        tpu.enqueue_indirect_dma source(%arg11 : memref<128x128xf32, #tpu.memory_space<vmem>>) target(%dma_start3A_95 : memref<10240x128xf32, #tpu.memory_space<vmem_shared>>) offsets(%arg9 : memref<128xi32, #tpu.memory_space<vmem>>) semaphore(%run_scoped3A : memref<!tpu.dma_semaphore, #tpu.memory_space<semaphore_mem>>) {add = true}
        %dma_wait3A_96 = arith.constant 0 : i32
        %dma_wait3A_97 = arith.constant 0 : i32
        %dma_wait3A_98 = tpu.memref_slice %arg12[%dma_wait3A_96, %dma_wait3A_97] : memref<10240x128xf32, #tpu.memory_space<vmem_shared>> -> memref<10240x128xf32, #tpu.memory_space<vmem_shared>>
        tpu.wait_indirect_dma semaphore(%run_scoped3A : memref<!tpu.dma_semaphore, #tpu.memory_space<semaphore_mem>>) src(%arg11 : memref<128x128xf32, #tpu.memory_space<vmem>>) dst(%dma_wait3A_98 : memref<10240x128xf32, #tpu.memory_space<vmem_shared>>)
        tpu.yield
      }) : () -> ()
    }
    %scan3A_42 = arith.constant 39 : i32
    %dma_wait3A = arith.constant 0 : i32
    %dma_wait3A_43 = arith.constant 0 : i32
    %dma_wait3A_44 = tpu.memref_slice %arg2[%dma_wait3A, %dma_wait3A_43] : memref<10000x128xf32, #tpu.memory_space<hbm>> -> memref<10000x128xf32, #tpu.memory_space<hbm>>
    tpu.wait_indirect_dma semaphore(%arg13 : memref<!tpu.dma_semaphore, #tpu.memory_space<semaphore_mem>>) src(%dma_wait3A_44 : memref<10000x128xf32, #tpu.memory_space<hbm>>) dst(%arg10 : memref<128x128xf32, #tpu.memory_space<vmem>>)
    %dma_wait3A_45 = arith.constant 0 : i32
    %dma_wait3A_46 = tpu.memref_slice %arg4[%dma_wait3A_45] : memref<323584xi32, #tpu.memory_space<hbm>> -> memref<128xi32, #tpu.memory_space<hbm>>
    %dma_wait3A_47 = arith.constant 0 : i32
    %dma_wait3A_48 = tpu.memref_slice %arg4[%dma_wait3A_47] : memref<323584xi32, #tpu.memory_space<hbm>> -> memref<128xi32, #tpu.memory_space<hbm>>
    tpu.wait_dma2 semaphore(%arg14 : memref<!tpu.dma_semaphore, #tpu.memory_space<semaphore_mem>>) src(%dma_wait3A_48 : memref<128xi32, #tpu.memory_space<hbm>>) dst(%arg8 : memref<128xi32, #tpu.memory_space<vmem>>)
    "tpu.region"() ({
      %run_scoped3A = tpu.sem_alloc : memref<!tpu.dma_semaphore, #tpu.memory_space<semaphore_mem>>
      %dma_start3A_54 = arith.constant 0 : i32
      %dma_start3A_55 = arith.constant 0 : i32
      %dma_start3A_56 = tpu.memref_slice %arg12[%dma_start3A_54, %dma_start3A_55] : memref<10240x128xf32, #tpu.memory_space<vmem_shared>> -> memref<10240x128xf32, #tpu.memory_space<vmem_shared>>
      tpu.enqueue_indirect_dma source(%arg10 : memref<128x128xf32, #tpu.memory_space<vmem>>) target(%dma_start3A_56 : memref<10240x128xf32, #tpu.memory_space<vmem_shared>>) offsets(%arg8 : memref<128xi32, #tpu.memory_space<vmem>>) semaphore(%run_scoped3A : memref<!tpu.dma_semaphore, #tpu.memory_space<semaphore_mem>>) {add = true}
      %dma_wait3A_57 = arith.constant 0 : i32
      %dma_wait3A_58 = arith.constant 0 : i32
      %dma_wait3A_59 = tpu.memref_slice %arg12[%dma_wait3A_57, %dma_wait3A_58] : memref<10240x128xf32, #tpu.memory_space<vmem_shared>> -> memref<10240x128xf32, #tpu.memory_space<vmem_shared>>
      tpu.wait_indirect_dma semaphore(%run_scoped3A : memref<!tpu.dma_semaphore, #tpu.memory_space<semaphore_mem>>) src(%arg10 : memref<128x128xf32, #tpu.memory_space<vmem>>) dst(%dma_wait3A_59 : memref<10240x128xf32, #tpu.memory_space<vmem_shared>>)
      tpu.yield
    }) : () -> ()
    %barrier3A_49 = arith.constant 0 : index
    tpu.barrier barrier_id(%barrier3A_49)
    %mul3A_50 = arith.constant 640 : i32
    %mul3A_51 = arith.muli %arg1, %mul3A_50 : i32
    %mul3A_52 = arith.constant 640 : i32
    %mul3A_53 = arith.muli %arg1, %mul3A_52 : i32
    "tpu.region"() ({
      %run_scoped3A = tpu.sem_alloc : memref<!tpu.dma_semaphore, #tpu.memory_space<semaphore_mem>>
      %dma_start3A_54 = arith.constant 0 : i32
      %dma_start3A_55 = tpu.memref_slice %arg5[%arg0, %mul3A_53, %dma_start3A_54] : memref<2x10240x128xf32, #tpu.memory_space<hbm>> -> memref<1x640x128xf32, #tpu.memory_space<hbm>>
      %dma_start3A_56 = tpu.memref_squeeze %dma_start3A_55 : memref<1x640x128xf32, #tpu.memory_space<hbm>> -> memref<640x128xf32, #tpu.memory_space<hbm>>
      %dma_start3A_57 = arith.constant 0 : i32
      %dma_start3A_58 = tpu.memref_slice %arg12[%mul3A_51, %dma_start3A_57] : memref<10240x128xf32, #tpu.memory_space<vmem_shared>> -> memref<640x128xf32, #tpu.memory_space<vmem_shared>>
      tpu.enqueue_dma source(%dma_start3A_58 : memref<640x128xf32, #tpu.memory_space<vmem_shared>>) target(%dma_start3A_56 : memref<640x128xf32, #tpu.memory_space<hbm>>) target_semaphore(%run_scoped3A : memref<!tpu.dma_semaphore, #tpu.memory_space<semaphore_mem>>)
      %dma_wait3A_59 = arith.constant 0 : i32
      %dma_wait3A_60 = tpu.memref_slice %arg5[%arg0, %mul3A_53, %dma_wait3A_59] : memref<2x10240x128xf32, #tpu.memory_space<hbm>> -> memref<1x640x128xf32, #tpu.memory_space<hbm>>
      %dma_wait3A_61 = tpu.memref_squeeze %dma_wait3A_60 : memref<1x640x128xf32, #tpu.memory_space<hbm>> -> memref<640x128xf32, #tpu.memory_space<hbm>>
      %dma_wait3A_62 = arith.constant 0 : i32
      %dma_wait3A_63 = tpu.memref_slice %arg12[%mul3A_51, %dma_wait3A_62] : memref<10240x128xf32, #tpu.memory_space<vmem_shared>> -> memref<640x128xf32, #tpu.memory_space<vmem_shared>>
      tpu.wait_dma2 semaphore(%run_scoped3A : memref<!tpu.dma_semaphore, #tpu.memory_space<semaphore_mem>>) src(%dma_wait3A_63 : memref<640x128xf32, #tpu.memory_space<vmem_shared>>) dst(%dma_wait3A_61 : memref<640x128xf32, #tpu.memory_space<hbm>>)
      tpu.yield
    }) : () -> ()
    return
  }
}

module attributes {stable_mosaic.version = 14 : i64} {
  func.func @_mm_scale_body(%arg0: i32, %arg1: memref<1000x128xf32, #tpu.memory_space<vmem>>, %arg2: memref<128x128xf32, #tpu.memory_space<vmem>>, %arg3: memref<1000x1xf32, #tpu.memory_space<vmem>>, %arg4: memref<1000x1xf32, #tpu.memory_space<vmem>>, %arg5: memref<1000x128xf32, #tpu.memory_space<vmem>>) attributes {dimension_semantics = [#tpu.dimension_semantics<arbitrary>], iteration_bounds = array<i64: 10>, scalar_prefetch = 0 : i64, scratch_operands = 0 : i64, tpu.core_type = #tpu.core_type<tc>, window_params = [{transform_indices = @transform_0, window_bounds = array<i64: 1000, 128>}, {pipeline_mode = #tpu.pipeline_mode<synchronous>, transform_indices = @transform_1, window_bounds = array<i64: 128, 128>}, {transform_indices = @transform_2, window_bounds = array<i64: 1000, 1>}, {transform_indices = @transform_3, window_bounds = array<i64: 1000, 1>}, {transform_indices = @transform_4, window_bounds = array<i64: 1000, 128>}]} {
    %get3A = arith.constant 0 : index
    %get3A_0 = arith.constant 0 : index
    %get3A_1 = vector.load %arg3[%get3A, %get3A_0] : memref<1000x1xf32, #tpu.memory_space<vmem>>, vector<1000x1xf32>
    %get3A_2 = arith.constant 0 : index
    %get3A_3 = arith.constant 0 : index
    %get3A_4 = vector.load %arg4[%get3A_2, %get3A_3] : memref<1000x1xf32, #tpu.memory_space<vmem>>, vector<1000x1xf32>
    %add3A = arith.addf %get3A_1, %get3A_4 : vector<1000x1xf32>
    %add3A_5 = arith.constant 1.000000e+00 : f32
    %add3A_6 = vector.broadcast %add3A_5 : f32 to vector<1000x1xf32>
    %add3A_7 = arith.addf %add3A, %add3A_6 : vector<1000x1xf32>
    %max3A = arith.constant 9.99999996E-13 : f32
    %max3A_8 = vector.broadcast %max3A : f32 to vector<1000x1xf32>
    %max3A_9 = arith.maximumf %add3A_7, %max3A_8 : vector<1000x1xf32>
    %rsqrt3A = math.rsqrt %max3A_9 : vector<1000x1xf32>
    %get3A_10 = arith.constant 0 : index
    %get3A_11 = arith.constant 0 : index
    %get3A_12 = vector.load %arg1[%get3A_10, %get3A_11] : memref<1000x128xf32, #tpu.memory_space<vmem>>, vector<1000x128xf32>
    %get3A_13 = arith.constant 0 : index
    %get3A_14 = arith.constant 0 : index
    %get3A_15 = vector.load %arg2[%get3A_13, %get3A_14] : memref<128x128xf32, #tpu.memory_space<vmem>>, vector<128x128xf32>
    %dot_general3A = arith.constant dense<0.000000e+00> : vector<1000x128xf32>
    %dot_general3A_16 = tpu.matmul %get3A_12, %get3A_15, %dot_general3A {dimension_numbers = #tpu.dot_dimension_numbers<[1], [0], [0], [1], [0, 0, 1, 1], [], []>, transpose_lhs_hint = false} : vector<1000x128xf32>, vector<128x128xf32>, vector<1000x128xf32> -> vector<1000x128xf32>
    %mul3A = vector.broadcast %rsqrt3A : vector<1000x1xf32> to vector<1000x128xf32>
    %mul3A_17 = arith.mulf %dot_general3A_16, %mul3A : vector<1000x128xf32>
    %swap3A = arith.constant 0 : index
    %swap3A_18 = arith.constant 0 : index
    %swap3A_19 = vector.load %arg5[%swap3A, %swap3A_18] : memref<1000x128xf32, #tpu.memory_space<vmem>>, vector<1000x128xf32>
    tpu.vector_store %arg5[%swap3A, %swap3A_18], %mul3A_17 {strides = array<i32>} : memref<1000x128xf32, #tpu.memory_space<vmem>>, vector<1000x128xf32>,
    return
  }
  func.func @transform_0(%arg0: i32) -> (i32, i32) {
    %c0_i32 = arith.constant 0 : i32
    %c0_i32_0 = arith.constant 0 : i32
    return %arg0, %c0_i32 : i32, i32
  }
  func.func @transform_1(%arg0: i32) -> (i32, i32) {
    %c0_i32 = arith.constant 0 : i32
    %c0_i32_0 = arith.constant 0 : i32
    %c0_i32_1 = arith.constant 0 : i32
    return %c0_i32, %c0_i32_0 : i32, i32
  }
  func.func @transform_2(%arg0: i32) -> (i32, i32) {
    %c0_i32 = arith.constant 0 : i32
    %c0_i32_0 = arith.constant 0 : i32
    return %arg0, %c0_i32 : i32, i32
  }
  func.func @transform_3(%arg0: i32) -> (i32, i32) {
    %c0_i32 = arith.constant 0 : i32
    %c0_i32_0 = arith.constant 0 : i32
    return %arg0, %c0_i32 : i32, i32
  }
  func.func @transform_4(%arg0: i32) -> (i32, i32) {
    %c0_i32 = arith.constant 0 : i32
    %c0_i32_0 = arith.constant 0 : i32
    return %arg0, %c0_i32 : i32, i32
  }
}

module attributes {stable_mosaic.version = 14 : i64} {
  func.func @_fuse_body(%arg0: i32, %arg1: memref<1000x128xf32, #tpu.memory_space<vmem>>, %arg2: memref<1000x128xf32, #tpu.memory_space<vmem>>, %arg3: memref<1000x128xf32, #tpu.memory_space<vmem>>, %arg4: memref<1000x1xf32, #tpu.memory_space<vmem>>, %arg5: memref<1000x1xf32, #tpu.memory_space<vmem>>, %arg6: memref<128x128xf32, #tpu.memory_space<vmem>>, %arg7: memref<1x128xf32, #tpu.memory_space<vmem>>, %arg8: memref<1000x128xf32, #tpu.memory_space<vmem>>) attributes {dimension_semantics = [#tpu.dimension_semantics<arbitrary>], iteration_bounds = array<i64: 10>, scalar_prefetch = 0 : i64, scratch_operands = 0 : i64, tpu.core_type = #tpu.core_type<tc>, window_params = [{transform_indices = @transform_0, window_bounds = array<i64: 1000, 128>}, {transform_indices = @transform_1, window_bounds = array<i64: 1000, 128>}, {transform_indices = @transform_2, window_bounds = array<i64: 1000, 128>}, {transform_indices = @transform_3, window_bounds = array<i64: 1000, 1>}, {transform_indices = @transform_4, window_bounds = array<i64: 1000, 1>}, {pipeline_mode = #tpu.pipeline_mode<synchronous>, transform_indices = @transform_5, window_bounds = array<i64: 128, 128>}, {pipeline_mode = #tpu.pipeline_mode<synchronous>, transform_indices = @transform_6, window_bounds = array<i64: 1, 128>}, {transform_indices = @transform_7, window_bounds = array<i64: 1000, 128>}]} {
    %get3A = arith.constant 0 : index
    %get3A_0 = arith.constant 0 : index
    %get3A_1 = vector.load %arg4[%get3A, %get3A_0] : memref<1000x1xf32, #tpu.memory_space<vmem>>, vector<1000x1xf32>
    %get3A_2 = arith.constant 0 : index
    %get3A_3 = arith.constant 0 : index
    %get3A_4 = vector.load %arg5[%get3A_2, %get3A_3] : memref<1000x1xf32, #tpu.memory_space<vmem>>, vector<1000x1xf32>
    %add3A = arith.addf %get3A_1, %get3A_4 : vector<1000x1xf32>
    %add3A_5 = arith.constant 1.000000e+00 : f32
    %add3A_6 = vector.broadcast %add3A_5 : f32 to vector<1000x1xf32>
    %add3A_7 = arith.addf %add3A, %add3A_6 : vector<1000x1xf32>
    %max3A = arith.constant 9.99999996E-13 : f32
    %max3A_8 = vector.broadcast %max3A : f32 to vector<1000x1xf32>
    %max3A_9 = arith.maximumf %add3A_7, %max3A_8 : vector<1000x1xf32>
    %rsqrt3A = math.rsqrt %max3A_9 : vector<1000x1xf32>
    %get3A_10 = arith.constant 0 : index
    %get3A_11 = arith.constant 0 : index
    %get3A_12 = vector.load %arg1[%get3A_10, %get3A_11] : memref<1000x128xf32, #tpu.memory_space<vmem>>, vector<1000x128xf32>
    %get3A_13 = arith.constant 0 : index
    %get3A_14 = arith.constant 0 : index
    %get3A_15 = vector.load %arg2[%get3A_13, %get3A_14] : memref<1000x128xf32, #tpu.memory_space<vmem>>, vector<1000x128xf32>
    %add3A_16 = arith.addf %get3A_12, %get3A_15 : vector<1000x128xf32>
    %get3A_17 = arith.constant 0 : index
    %get3A_18 = arith.constant 0 : index
    %get3A_19 = vector.load %arg3[%get3A_17, %get3A_18] : memref<1000x128xf32, #tpu.memory_space<vmem>>, vector<1000x128xf32>
    %add3A_20 = arith.addf %add3A_16, %get3A_19 : vector<1000x128xf32>
    %mul3A = vector.broadcast %rsqrt3A : vector<1000x1xf32> to vector<1000x128xf32>
    %mul3A_21 = arith.mulf %mul3A, %add3A_20 : vector<1000x128xf32>
    %get3A_22 = arith.constant 0 : index
    %get3A_23 = arith.constant 0 : index
    %get3A_24 = vector.load %arg7[%get3A_22, %get3A_23] : memref<1x128xf32, #tpu.memory_space<vmem>>, vector<1x128xf32>
    %add3A_25 = vector.broadcast %get3A_24 : vector<1x128xf32> to vector<1000x128xf32>
    %add3A_26 = arith.addf %mul3A_21, %add3A_25 : vector<1000x128xf32>
    %max3A_27 = arith.constant 0.000000e+00 : f32
    %max3A_28 = vector.broadcast %max3A_27 : f32 to vector<1000x128xf32>
    %max3A_29 = arith.maximumf %add3A_26, %max3A_28 : vector<1000x128xf32>
    %get3A_30 = arith.constant 0 : index
    %get3A_31 = arith.constant 0 : index
    %get3A_32 = vector.load %arg6[%get3A_30, %get3A_31] : memref<128x128xf32, #tpu.memory_space<vmem>>, vector<128x128xf32>
    %dot_general3A = arith.constant dense<0.000000e+00> : vector<1000x128xf32>
    %dot_general3A_33 = tpu.matmul %max3A_29, %get3A_32, %dot_general3A {dimension_numbers = #tpu.dot_dimension_numbers<[1], [0], [0], [1], [0, 0, 1, 1], [], []>, transpose_lhs_hint = false} : vector<1000x128xf32>, vector<128x128xf32>, vector<1000x128xf32> -> vector<1000x128xf32>
    %mul3A_34 = vector.broadcast %rsqrt3A : vector<1000x1xf32> to vector<1000x128xf32>
    %mul3A_35 = arith.mulf %dot_general3A_33, %mul3A_34 : vector<1000x128xf32>
    %swap3A = arith.constant 0 : index
    %swap3A_36 = arith.constant 0 : index
    %swap3A_37 = vector.load %arg8[%swap3A, %swap3A_36] : memref<1000x128xf32, #tpu.memory_space<vmem>>, vector<1000x128xf32>
    tpu.vector_store %arg8[%swap3A, %swap3A_36], %mul3A_35 {strides = array<i32>} : memref<1000x128xf32, #tpu.memory_space<vmem>>, vector<1000x128xf32>,
    return
  }
  func.func @transform_0(%arg0: i32) -> (i32, i32) {
    %c0_i32 = arith.constant 0 : i32
    %c0_i32_0 = arith.constant 0 : i32
    return %arg0, %c0_i32 : i32, i32
  }
  func.func @transform_1(%arg0: i32) -> (i32, i32) {
    %c0_i32 = arith.constant 0 : i32
    %c0_i32_0 = arith.constant 0 : i32
    return %arg0, %c0_i32 : i32, i32
  }
  func.func @transform_2(%arg0: i32) -> (i32, i32) {
    %c0_i32 = arith.constant 0 : i32
    %c0_i32_0 = arith.constant 0 : i32
    return %arg0, %c0_i32 : i32, i32
  }
  func.func @transform_3(%arg0: i32) -> (i32, i32) {
    %c0_i32 = arith.constant 0 : i32
    %c0_i32_0 = arith.constant 0 : i32
    return %arg0, %c0_i32 : i32, i32
  }
  func.func @transform_4(%arg0: i32) -> (i32, i32) {
    %c0_i32 = arith.constant 0 : i32
    %c0_i32_0 = arith.constant 0 : i32
    return %arg0, %c0_i32 : i32, i32
  }
  func.func @transform_5(%arg0: i32) -> (i32, i32) {
    %c0_i32 = arith.constant 0 : i32
    %c0_i32_0 = arith.constant 0 : i32
    %c0_i32_1 = arith.constant 0 : i32
    return %c0_i32, %c0_i32_0 : i32, i32
  }
  func.func @transform_6(%arg0: i32) -> (i32, i32) {
    %c0_i32 = arith.constant 0 : i32
    %c0_i32_0 = arith.constant 0 : i32
    %c0_i32_1 = arith.constant 0 : i32
    return %c0_i32, %c0_i32_0 : i32, i32
  }
  func.func @transform_7(%arg0: i32) -> (i32, i32) {
    %c0_i32 = arith.constant 0 : i32
    %c0_i32_0 = arith.constant 0 : i32
    return %arg0, %c0_i32 : i32, i32
  }
}

module attributes {stable_mosaic.version = 14 : i64} {
  func.func @_final_body(%arg0: i32, %arg1: memref<1000x128xf32, #tpu.memory_space<vmem>>, %arg2: memref<1000x128xf32, #tpu.memory_space<vmem>>, %arg3: memref<1000x128xf32, #tpu.memory_space<vmem>>, %arg4: memref<1000x1xf32, #tpu.memory_space<vmem>>, %arg5: memref<1000x1xf32, #tpu.memory_space<vmem>>, %arg6: memref<1x128xf32, #tpu.memory_space<vmem>>, %arg7: memref<1000x128xf32, #tpu.memory_space<vmem>>) attributes {dimension_semantics = [#tpu.dimension_semantics<arbitrary>], iteration_bounds = array<i64: 10>, scalar_prefetch = 0 : i64, scratch_operands = 0 : i64, tpu.core_type = #tpu.core_type<tc>, window_params = [{transform_indices = @transform_0, window_bounds = array<i64: 1000, 128>}, {transform_indices = @transform_1, window_bounds = array<i64: 1000, 128>}, {transform_indices = @transform_2, window_bounds = array<i64: 1000, 128>}, {transform_indices = @transform_3, window_bounds = array<i64: 1000, 1>}, {transform_indices = @transform_4, window_bounds = array<i64: 1000, 1>}, {pipeline_mode = #tpu.pipeline_mode<synchronous>, transform_indices = @transform_5, window_bounds = array<i64: 1, 128>}, {transform_indices = @transform_6, window_bounds = array<i64: 1000, 128>}]} {
    %get3A = arith.constant 0 : index
    %get3A_0 = arith.constant 0 : index
    %get3A_1 = vector.load %arg4[%get3A, %get3A_0] : memref<1000x1xf32, #tpu.memory_space<vmem>>, vector<1000x1xf32>
    %get3A_2 = arith.constant 0 : index
    %get3A_3 = arith.constant 0 : index
    %get3A_4 = vector.load %arg5[%get3A_2, %get3A_3] : memref<1000x1xf32, #tpu.memory_space<vmem>>, vector<1000x1xf32>
    %add3A = arith.addf %get3A_1, %get3A_4 : vector<1000x1xf32>
    %add3A_5 = arith.constant 1.000000e+00 : f32
    %add3A_6 = vector.broadcast %add3A_5 : f32 to vector<1000x1xf32>
    %add3A_7 = arith.addf %add3A, %add3A_6 : vector<1000x1xf32>
    %max3A = arith.constant 9.99999996E-13 : f32
    %max3A_8 = vector.broadcast %max3A : f32 to vector<1000x1xf32>
    %max3A_9 = arith.maximumf %add3A_7, %max3A_8 : vector<1000x1xf32>
    %rsqrt3A = math.rsqrt %max3A_9 : vector<1000x1xf32>
    %get3A_10 = arith.constant 0 : index
    %get3A_11 = arith.constant 0 : index
    %get3A_12 = vector.load %arg1[%get3A_10, %get3A_11] : memref<1000x128xf32, #tpu.memory_space<vmem>>, vector<1000x128xf32>
    %get3A_13 = arith.constant 0 : index
    %get3A_14 = arith.constant 0 : index
    %get3A_15 = vector.load %arg2[%get3A_13, %get3A_14] : memref<1000x128xf32, #tpu.memory_space<vmem>>, vector<1000x128xf32>
    %add3A_16 = arith.addf %get3A_12, %get3A_15 : vector<1000x128xf32>
    %get3A_17 = arith.constant 0 : index
    %get3A_18 = arith.constant 0 : index
    %get3A_19 = vector.load %arg3[%get3A_17, %get3A_18] : memref<1000x128xf32, #tpu.memory_space<vmem>>, vector<1000x128xf32>
    %add3A_20 = arith.addf %add3A_16, %get3A_19 : vector<1000x128xf32>
    %mul3A = vector.broadcast %rsqrt3A : vector<1000x1xf32> to vector<1000x128xf32>
    %mul3A_21 = arith.mulf %mul3A, %add3A_20 : vector<1000x128xf32>
    %get3A_22 = arith.constant 0 : index
    %get3A_23 = arith.constant 0 : index
    %get3A_24 = vector.load %arg6[%get3A_22, %get3A_23] : memref<1x128xf32, #tpu.memory_space<vmem>>, vector<1x128xf32>
    %add3A_25 = vector.broadcast %get3A_24 : vector<1x128xf32> to vector<1000x128xf32>
    %add3A_26 = arith.addf %mul3A_21, %add3A_25 : vector<1000x128xf32>
    %swap3A = arith.constant 0 : index
    %swap3A_27 = arith.constant 0 : index
    %swap3A_28 = vector.load %arg7[%swap3A, %swap3A_27] : memref<1000x128xf32, #tpu.memory_space<vmem>>, vector<1000x128xf32>
    tpu.vector_store %arg7[%swap3A, %swap3A_27], %add3A_26 {strides = array<i32>} : memref<1000x128xf32, #tpu.memory_space<vmem>>, vector<1000x128xf32>,
    return
  }
  func.func @transform_0(%arg0: i32) -> (i32, i32) {
    %c0_i32 = arith.constant 0 : i32
    %c0_i32_0 = arith.constant 0 : i32
    return %arg0, %c0_i32 : i32, i32
  }
  func.func @transform_1(%arg0: i32) -> (i32, i32) {
    %c0_i32 = arith.constant 0 : i32
    %c0_i32_0 = arith.constant 0 : i32
    return %arg0, %c0_i32 : i32, i32
  }
  func.func @transform_2(%arg0: i32) -> (i32, i32) {
    %c0_i32 = arith.constant 0 : i32
    %c0_i32_0 = arith.constant 0 : i32
    return %arg0, %c0_i32 : i32, i32
  }
  func.func @transform_3(%arg0: i32) -> (i32, i32) {
    %c0_i32 = arith.constant 0 : i32
    %c0_i32_0 = arith.constant 0 : i32
    return %arg0, %c0_i32 : i32, i32
  }
  func.func @transform_4(%arg0: i32) -> (i32, i32) {
    %c0_i32 = arith.constant 0 : i32
    %c0_i32_0 = arith.constant 0 : i32
    return %arg0, %c0_i32 : i32, i32
  }
  func.func @transform_5(%arg0: i32) -> (i32, i32) {
    %c0_i32 = arith.constant 0 : i32
    %c0_i32_0 = arith.constant 0 : i32
    %c0_i32_1 = arith.constant 0 : i32
    return %c0_i32, %c0_i32_0 : i32, i32
  }
  func.func @transform_6(%arg0: i32) -> (i32, i32) {
    %c0_i32 = arith.constant 0 : i32
    %c0_i32_0 = arith.constant 0 : i32
    return %arg0, %c0_i32 : i32, i32
  }
}

</mosaic_0001>

<sc_bundles>
// kernel: kernel.11.cloned.1.call-start
scs
__scs_entry_jumppad:
0x0: {  	(pc) =	sbr.rel $0x88, $3  }
0x1: {  	(tag) =	ssettag $0x0;
	lr =	simm.s32 $0x1  }
0x2: {  	[smem:$0x3F9A] =	sst lr;
	_ =	strace $0xD0000000  }
0x3: {  	_ = 	snop  }
0x4: {  	_ = 	snop  }
0x5: {  	_ = 	snop  }
0x6: {  	_ = 	snop  }
0x7: {  	_ = 	snop  }
__scs_overlays_trampoline_lowered:
0x8: {  	[smem:$0x3FA9] =	sst s0  }
0x9: {  	[smem:$0x3FAA] =	sst s1  }
0xa: {  	[smem:$0x3FAB] =	sst s2  }
0xb: {  	[smem:$0x3FAC] =	sst s3  }
0xc: {  	[smem:$0x3FAD] =	sst s4  }
0xd: {  	[smem:$0x3FAE] =	sst s5  }
0xe: {  	[smem:$0x3FAF] =	sst s6  }
0xf: {  	[smem:$0x3FB0] =	sst s7  }
0x10: {  	[smem:$0x3FB1] =	sst s8  }
0x11: {  	[smem:$0x3FB2] =	sst s9;
	s0 =	simm.s32 @!p0 $0x0  }
0x12: {  	s1 =	sld [smem:$0x3F98];
	s0 =	simm.s32 @p0 $0x1  }
0x13: {  	[smem:$0x3FB3] =	sst s0;
	s0 =	simm.s32 @!p1 $0x0  }
0x14: {  	s2 =	sld [smem:$0x3F97];
	s0 =	simm.s32 @p1 $0x1  }
0x15: {  	[smem:$0x3FB4] =	sst s0;
	s0 =	simm.s32 @!p2 $0x0  }
0x16: {  	s3 =	sld [smem:$0x3FDB];
	s0 =	simm.s32 @p2 $0x1  }
0x17: {  	s4 =	simm.s32 $0x1BF5;
	[smem:$0x3FB6] =	sst s0  }
0x18: {  	s0 =	sld [smem:$0x3F99];
	_ =	swait.ge [sflag:s4], $0x0  }
0x19: {  	s7 =	sld [smem:$0x3F9A]  }
0x1a: {  	s8 =	sadd.s32 $0xFFFFE003, lr  }
0x1b: {  	s9 =	sadd.s32 $0xFFFFFEF7, lr;
	s5 =	simm.s32 $0xFFFFFFFF;
	p2 =	slt.u32 s8, $0xFFFFF086  }
0x1c: {  	p1 =	slt.u32 s9, $0xF7A;
	s5 =	simm.s32 @!p2 $0x0  }
0x1d: {  	s5 =	simm.s32 @p1 $0x1;
	p0 =	seq.s32 s7, s2  }
0x1e: {  	s7 =	smul.u32 @!p0 $0xF7A, s2;
	p2 =	seq.s32 @!p0 s5, $0x0  }
0x1f: {  	s9 =	smul.u32 $0xF7A, s1;
	s8 =	simm.s32 @!p0 $0x1BF5;
	p2 =	por !p2, p0  }
0x20: {  	[sflag:s8] =	ssyncset.s32 @!p0 $0xFFFFF086;
	s6 =	sadd.s32 @!p0 s3, s7;
	s7 =	simm.s32 @!p0 $0x108  }
0x21: {  	s3 =	sadd.s32 s3, s9;
	s6 =	sadd.s32 @!p0 $0x88, s6;
	s7 =	simm.s32 @p2 $0x1082  }
0x22: {  	[simem:s7], [sflag:s8] =	dma.local @!p0 [hbm:s6], $0xF7A  }
0x23: {  	s9 =	sor.u32 $0xD0000000, s2;
	s6 =	simm.s32 $0x108;
	_ =	swait.ge @!p0 [sflag:s8], $0x0  }
0x24: {  	s3 =	sadd.s32 $0x88, s3;
	s6 =	simm.s32 @!p1 $0x1082;
	[sflag:s4] =	ssyncset.s32 $0xFFFFF086  }
0x25: {  	[simem:s6], [sflag:s4] =	dma.local [hbm:s3], $0xF7A  }
0x26: {  	[smem:$0x3F9A] =	sst s1;
	(tag) =	ssettag s2;
	_ =	strace s9  }
0x27: {  	s1 =	sld [smem:$0x3FAA]  }
0x28: {  	s2 =	sld [smem:$0x3FAB]  }
0x29: {  	s4 =	sld [smem:$0x3FAD]  }
0x2a: {  	p0 =	seq.s32 s5, $0x0;
	s5 =	sld [smem:$0x3FAE]  }
0x2b: {  	s6 =	sld [smem:$0x3FAF]  }
0x2c: {  	s7 =	sld [smem:$0x3FB0]  }
0x2d: {  	s3 =	simm.s32 $0x108;
	s8 =	sld [smem:$0x3FB1]  }
0x2e: {  	s3 =	simm.s32 @!p0 $0x1082;
	s9 =	sld [smem:$0x3FB2]  }
0x2f: {  	lr =	sadd.s32 s0, s3;
	s0 =	sld [smem:$0x3FA9]  }
0x30: {  	s3 =	sld [smem:$0x3FAC]  }
0x31: {  	[smem:$0x3FB5] =	sst s10  }
0x32: {  	s10 =	sld [smem:$0x3FB3];
	_ =	sdelay $0x3  }
0x33: {  	p0 =	seq.s32 s10, $0x1;
	s10 =	sld [smem:$0x3FB5];
	_ =	sdelay $0x3  }
0x34: {  	[smem:$0x3FB5] =	sst s10  }
0x35: {  	s10 =	sld [smem:$0x3FB4];
	_ =	sdelay $0x3  }
0x36: {  	p1 =	seq.s32 s10, $0x1;
	s10 =	sld [smem:$0x3FB5];
	_ =	sdelay $0x3  }
0x37: {  	[smem:$0x3FB5] =	sst s10  }
0x38: {  	s10 =	sld [smem:$0x3FB6]  }
0x39: {  	_ = 	snop;
	(pc) =	sbr.ind lr, $3  }
0x3a: {  	_ = 	snop  }
0x3b: {  	_ = 	snop  }
0x3c: {  	p2 =	seq.s32 s10, $0x1;
	s10 =	sld [smem:$0x3FB5]  }
0x3d: {  	_ =	shalt  }
0x3e: {  	_ =	shalt  }
0x3f: {  	_ =	shalt  }
0x40: {  	_ =	shalt  }
0x41: {  	_ =	shalt  }
0x42: {  	_ =	shalt  }
0x43: {  	_ =	shalt  }
0x44: {  	_ =	shalt  }
0x45: {  	_ =	shalt  }
0x46: {  	_ =	shalt  }
0x47: {  	_ =	shalt  }
0x48: {  	_ =	shalt  }
0x49: {  	_ =	shalt  }
0x4a: {  	_ =	shalt  }
0x4b: {  	_ =	shalt  }
0x4c: {  	_ =	shalt  }
0x4d: {  	_ =	shalt  }
0x4e: {  	_ =	shalt  }
0x4f: {  	_ =	shalt  }
0x50: {  	_ =	shalt  }
0x51: {  	_ =	shalt  }
0x52: {  	_ =	shalt  }
0x53: {  	_ =	shalt  }
0x54: {  	_ =	shalt  }
0x55: {  	_ =	shalt  }
0x56: {  	_ =	shalt  }
0x57: {  	_ =	shalt  }
0x58: {  	_ =	shalt  }
0x59: {  	_ =	shalt  }
0x5a: {  	_ =	shalt  }
0x5b: {  	_ =	shalt  }
0x5c: {  	_ =	shalt  }
0x5d: {  	_ =	shalt  }
0x5e: {  	_ =	shalt  }
0x5f: {  	_ =	shalt  }
0x60: {  	_ =	shalt  }
0x61: {  	_ =	shalt  }
0x62: {  	_ =	shalt  }
0x63: {  	_ =	shalt  }
0x64: {  	_ =	shalt  }
0x65: {  	_ =	shalt  }
0x66: {  	_ =	shalt  }
0x67: {  	_ =	shalt  }
0x68: {  	_ =	shalt  }
0x69: {  	_ =	shalt  }
0x6a: {  	_ =	shalt  }
0x6b: {  	_ =	shalt  }
0x6c: {  	_ =	shalt  }
0x6d: {  	_ =	shalt  }
0x6e: {  	_ =	shalt  }
0x6f: {  	_ =	shalt  }
0x70: {  	_ =	shalt  }
0x71: {  	_ =	shalt  }
0x72: {  	_ =	shalt  }
0x73: {  	_ =	shalt  }
0x74: {  	_ =	shalt  }
0x75: {  	_ =	shalt  }
0x76: {  	_ =	shalt  }
0x77: {  	_ =	shalt  }
0x78: {  	_ =	shalt  }
0x79: {  	_ =	shalt  }
0x7a: {  	_ =	shalt  }
0x7b: {  	_ =	shalt  }
0x7c: {  	_ =	shalt  }
0x7d: {  	_ =	shalt  }
0x7e: {  	_ =	shalt  }
0x7f: {  	_ =	shalt  }
0x80: {  	_ =	shalt  }
0x81: {  	_ =	shalt  }
0x82: {  	_ =	shalt  }
0x83: {  	_ =	shalt  }
0x84: {  	_ =	shalt  }
0x85: {  	_ =	shalt  }
0x86: {  	_ =	shalt  }
0x87: {  	_ =	shalt  }
.Lfunc_end0:
.L_simem_size_0:
called_computation.1_lowered:
.L_overlay_start_0:
0x88: {  	s2 =	sld [smem:$0x3FD9]  }
0x89: {  	s3 =	sld [smem:$0x3FFE];
	_ =	sdelay $0x1  }
0x8a: {  	s1 =	srdreg.scid  }
0x8b: {  	s0 =	sand.u32 $0x1, s1  }
0x8c: {  	s14 =	sshll.u32 s0, $0xA;
	s2 =	sadd.s32 s3, s2  }
0x8d: {  	s2 =	sadd.s32 s2, s14  }
0x8e: {  	[smem:$0x3FC1] =	sst s2  }
0x8f: {  	_ = 	snop  }
0x90: {  	s2 =	sld [smem:$0x3FD0];
	_ =	sdelay $0x2  }
0x91: {  	s15 =	simm.s32 $0xA;
	s4 =	simm.s32 $0x10  }
0x92: {  	[smem:s4], [sflag:s15] =	dma.local [hbm:s2], $0x1  }
0x93: {  	_ =	swait.eq [sflag:s15], $0x1  }
0x94: {  	[sflag:s15] =	ssyncset.done $0x0  }
0x95: {  	[sflag:s15] =	ssyncadd.s32 $0xFFFFFFFF  }
0x96: {  	s16 =	sld [smem:$0x10];
	(tm) =	ssettm $0x1  }
0x97: {  	s17 =	sld [smem:$0x3FFB];
	_ =	sdelay $0x3  }
0x98: {  	_ =	strace s17  }
0x99: {  	s3 =	sld [smem:$0x3FFC];
	_ =	sdelay $0x3  }
0x9a: {  	_ =	strace s3  }
0x9b: {  	s3 =	sld [smem:$0x3FFD];
	_ =	sdelay $0x3  }
0x9c: {  	_ =	strace s3  }
0x9d: {  	_ =	strace $0x8FFFFFFF  }
0x9e: {  	s18 =	sld [smem:$0x3FDB];
	_ =	sdelay $0x1  }
0x9f: {  	s19 =	simm.s32 $_scs_section_size  }
0xa0: {  	s5 =	simm.s32 $_size__tile_overlayer_lowered;
	s6 =	simm.s32 $_tile_overlayer_lowered  }
0xa1: {  	s22 =	simm.s32 $0x1BFF;
	s21 =	sshll.u32 s6, $0x1;
	s3 =	sadd.s32 s19, s18  }
0xa2: {  	s7 =	simm.s32 $0x0;
	s20 =	sshll.u32 s5, $0x1;
	s5 =	sadd.s32 s21, s3  }
0xa3: {  	[timem:s7], [sflag:s22] =	dma.local [hbm:s5], s20  }
0xa4: {  	_ =	swait.ge [sflag:s22], s20  }
0xa5: {  	s4 =	ssub.s32 $0x0, s20;
	[sflag:s22] =	ssyncset.done $0x0  }
0xa6: {  	[sflag:s22] =	ssyncadd.s32 s4;
	_ =	sdelay $0x1  }
0xa7: {  	s23 =	simm.s32 $0x1B8B  }
0xa8: {  	_ =	swait.ge [sflag:s23], $0x1  }
0xa9: {  	[sflag:s23] =	ssyncset.done $0x0  }
0xaa: {  	s25 =	simm.s32 $0x1B8E;
	s24 =	sld [smem:$0x3FFE];
	[sflag:s23] =	ssyncadd.s32 $0xFFFFFFFF  }
0xab: {  	s26 =	simm.s32 $execute0_lowered;
	[smem:$0x3FD2] =	sst s25  }
0xac: {  	s5 =	sshll.u32 s26, $0x1;
	_ =	strace $0x80000049;
	[dreg:$0x1] =	wrdreg $0xFFFFFFFF  }
0xad: {  	s28 =	simm.s32 $_size_execute0_lowered;
	s3 =	sadd.s32 s3, s5;
	[dreg:$0x0] =	wrdreg $0x0  }
0xae: {  	s5 =	sshll.u32 s28, $0x1;
	[dreg:$0x2] =	wrdreg s3  }
0xaf: {  	[dreg:$0x3] =	wrdreg s5  }
0xb0: {  	[dreg:$0x4] =	wrdreg $0xC0  }
0xb1: {  	_ =	task [dreg:s7], $0x5FFFF  }
0xb2: {  	[dreg:$0x1] =	wrdreg $0xFFFFFFFF  }
0xb3: {  	[dreg:$0x0] =	wrdreg $0x60  }
0xb4: {  	[dreg:$0x2] =	wrdreg s16  }
0xb5: {  	[dreg:$0x3] =	wrdreg s24  }
0xb6: {  	[dreg:$0x4] =	wrdreg $0x82000  }
0xb7: {  	[dreg:$0x5] =	wrdreg $0x9  }
0xb8: {  	_ =	task.clear_ibuf [dreg:s7], $0x6FFFF;
	_ =	strace $0x90000049  }
0xb9: {  	s29 =	simm.s32 $0x9;
	_ =	strace $0x8000004B  }
0xba: {  	_ =	swait.ge [sflag:s29], $0x1  }
0xbb: {  	[sflag:s29] =	ssyncadd.s32 $0xFFFFFFFF  }
0xbc: {  	_ =	strace $0x9000004B  }
0xbd: {  	_ =	sfence  }
0xbe: {  	s30 =	sld [smem:$0x0];
	_ =	sdelay $0x2  }
0xbf: {  	s31 =	sshll.u32 s1, $0xD;
	s1 =	sshrl.u32 s1, $0x2  }
0xc0: {  	s3 =	sand.u32 $0x4000, s31;
	s1 =	sadd.s32 s1, s30  }
0xc1: {  	s0 =	sor.u32 s3, s0;
	s1 =	sshll.u32 s1, $0x11  }
0xc2: {  	s0 =	sor.u32 s1, s0  }
0xc3: {  	s0 =	sadd.s32 $0x8F2B, s0  }
0xc4: {  	[sflag:s0] =	ssyncadd.remote.s32 $0x1  }
0xc5: {  	_ =	sfence.sel $0xFFFF  }
0xc6: {  	[dreg:$0x0] =	wrdreg $0xFFFFFFFF;
	(pc) =	sbr.abs _section_cstart, $3  }
0xc7: {  	[dreg:$0x1] =	wrdreg $0xFFFFFFFF  }
0xc8: {  	_ =	task.clear_ibuf [dreg:s7], $0x2FFFF;
	_ =	strace $0x9FFFFFFF  }
0xc9: {  	(tm) =	ssettm $0x7FFFFFFF  }
tec
execute0_lowered:
.L_overlay_start_1:
0x0: {  	(tag) =	ssettag $0x1  }
0x1: {  	s0 =	rddreg [dreg:$0x0]  }
0x2: {  	s5 =	rddreg [dreg:$0x1]  }
0x3: {  	s1 =	srdreg.scid;
	s3 =	rddreg [dreg:$0x2]  }
0x4: {  	s2 =	stileid.u32;
	s4 =	simm.s32 $0x0;
	s19 =	simm.s32 $0x100  }
0x5: {  	s20 =	simm.s32 $0x1;
	s21 =	simm.s32 $0x4200;
	s22 =	simm.s32 $0x180  }
0x6: {  	s23 =	simm.s32 $0x2;
	s24 =	simm.s32 $0x0;
	s7 =	smul.u32 $0x14000, s2  }
0x7: {  	s10 =	sand.u32 $0x1, s1;
	s1 =	rddreg [dreg:$0x3];
	s29 =	smul.u32 $0x50000, s2  }
0x8: {  	[smem:$0x7FF] =	sst s4;
	s13 =	sadd.s32 $0xD400, s5;
	s17 =	smul.u32 $0x4F0, s2  }
0x9: {  	s14 =	sadd.s32 $0x3600, s5;
	s6 =	smul.u32 $0x140000, s10;
	_ =	strace $0x8000004A  }
0xa: {  	s30 =	ssub.s32 $0x2, s10;
	s8 =	sshll.u32 s10, $0x4;
	s16 =	smul.u32 $0x4F00, s10  }
0xb: {  	s31 =	sshrl.u32 s30, $0x1;
	s8 =	sor.u32 s2, s8;
	s6 =	sadd.s32 s7, s6  }
0xc: {  	s7 =	sshrl.u32 s29, $0x2;
	s15 =	ssub.s32 s30, s31;
	s11 =	smul.u32 $0x4F0, s8  }
0xd: {  	s18 =	sadd.s32 s16, s13;
	s16 =	sadd.s32 s16, s14;
	s6 =	sshrl.u32 s6, $0x3  }
0xe: {  	s12 =	sadd.s32 s6, s5;
	s5 =	sadd.s32 s7, s3;
	s10 =	sadd.s32 s13, s11  }
0xf: {  	s11 =	sadd.s32 s14, s11;
	s13 =	smax.u32 s15, $0x1;
	s14 =	sadd.s32 s17, s18  }
0x10: {  	s15 =	sadd.s32 s17, s16;
	s16 =	simm.s32 $0x200;
	s17 =	simm.s32 $0x3  }
0x11: {  	s18 =	simm.s32 $0x80;
	s6 =	sadd.s32 $0x4000, s5;
	s7 =	sadd.s32 $0x8000, s5  }
0x12: {  	v0 =	vimm.f32 $0.0e+00;
	s8 =	sadd.s32 $0xC000, s5;
	s9 =	sadd.s32 $0x10000, s5;
	s12 =	sadd.s32 $0x65600, s12  }
.LBB2_1:
0x13: {  	s25 =	simm.s32 $0x0;
	s26 =	simm.s32 $0x200  }
.LBB2_2:
0x14: {  	p0 =	sne.s32 s26, $0xFE00;
	[tilespmem:s25+$0x270] =	vst v0  }
0x15: {  	[tilespmem:s25+$0x200] =	vst v0  }
0x16: {  	[tilespmem:s25+$0x210] =	vst v0  }
.Ltmp0:
0x17: {  	[tilespmem:s25+$0x220] =	vst v0;
	(pc) =	sbr.rel @p0 .LBB2_2-.Ltmp0, $4  }
0x18: {  	[tilespmem:s25+$0x230] =	vst v0  }
0x19: {  	[tilespmem:s25+$0x240] =	vst v0  }
0x1a: {  	[tilespmem:s25+$0x250] =	vst v0  }
0x1b: {  	[tilespmem:s25+$0x260] =	vst v0;
	s25 =	sshra.s32 s26, $0x2;
	s26 =	sadd.s32 $0x200, s26  }
0x1c: {  	[tilespmem:s25+$0x270] =	vst v0  }
0x1d: {  	[tilespmem:s25+$0x200] =	vst v0  }
0x1e: {  	[tilespmem:s25+$0x210] =	vst v0  }
0x1f: {  	[tilespmem:s25+$0x220] =	vst v0  }
0x20: {  	[tilespmem:s25+$0x230] =	vst v0  }
0x21: {  	[tilespmem:s25+$0x240] =	vst v0  }
0x22: {  	[tilespmem:s25+$0x250] =	vst v0  }
0x23: {  	[tilespmem:s25+$0x260] =	vst v0  }
0x24: {  	[spmem:s5] =	stream.linear.scatter [tilespmem:s16], [sflag:$0x3], $0x4000, $0x38;
	[tilespmem:$0x1C200] =	vst v63  }
0x25: {  	_ =	swait.ge [sflag:s17], $0x4000  }
0x26: {  	[sflag:s17] =	ssyncset.done $0x0  }
0x27: {  	[sflag:s17] =	ssyncadd.s32 $0xFFFFC000  }
0x28: {  	[spmem:s6] =	stream.linear.scatter [tilespmem:s16], [sflag:$0x3], $0x4000, $0x38;
	[tilespmem:$0x1C200] =	vst v63  }
0x29: {  	_ =	swait.ge [sflag:s17], $0x4000  }
0x2a: {  	[sflag:s17] =	ssyncset.done $0x0  }
0x2b: {  	[sflag:s17] =	ssyncadd.s32 $0xFFFFC000  }
0x2c: {  	[spmem:s7] =	stream.linear.scatter [tilespmem:s16], [sflag:$0x3], $0x4000, $0x38;
	[tilespmem:$0x1C200] =	vst v63  }
0x2d: {  	_ =	swait.ge [sflag:s17], $0x4000  }
0x2e: {  	[sflag:s17] =	ssyncset.done $0x0  }
0x2f: {  	[sflag:s17] =	ssyncadd.s32 $0xFFFFC000  }
0x30: {  	[spmem:s8] =	stream.linear.scatter [tilespmem:s16], [sflag:$0x3], $0x4000, $0x38;
	[tilespmem:$0x1C200] =	vst v63  }
0x31: {  	_ =	swait.ge [sflag:s17], $0x4000  }
0x32: {  	[sflag:s17] =	ssyncset.done $0x0  }
0x33: {  	[sflag:s17] =	ssyncadd.s32 $0xFFFFC000  }
0x34: {  	[spmem:s9] =	stream.linear.scatter [tilespmem:s16], [sflag:$0x3], $0x4000, $0x38;
	[tilespmem:$0x1C200] =	vst v63  }
0x35: {  	_ =	swait.ge [sflag:s17], $0x4000  }
0x36: {  	[sflag:s17] =	ssyncset.done $0x0  }
0x37: {  	[sflag:s17] =	ssyncadd.s32 $0xFFFFC000  }
0x38: {  	s30 =	simm.s32 $0x0;
	[bflag:$0x0] =	sbarrier.arrive $0xFFFF  }
0x39: {  	[tilespmem:s30], [sflag:$0x3] =	stream.linear.gather [hbm4b:s10+s30], $0x80, $0x38;
	[tilespmem:$0x1C200] =	vst v63  }
0x3a: {  	_ =	swait.ge [sflag:s17], $0x80  }
0x3b: {  	[sflag:s17] =	ssyncset.done $0x0  }
0x3c: {  	[sflag:s17] =	ssyncadd.s32 $0xFFFFFF80  }
0x3d: {  	[tilespmem:s16], [sflag:$0x1] =	stream.indirect.gather [hbm4b:s0+s18], $0x80, s30, s18, $0xb8;
	[tilespmem:$0x1C200] =	vst v63  }
0x3e: {  	s31 =	sadd.s32 $0x0, s14  }
0x3f: {  	[tilespmem:s19], [sflag:$0x2] =	stream.linear.gather [hbm4b:s11+s30], $0x80, $0x38;
	[tilespmem:$0x1C200] =	vst v63  }
0x40: {  	s26 =	sadd.s32 $0x10, s31  }
0x41: {  	[tilespmem:s18], [sflag:$0x3] =	stream.linear.gather [hbm4b:s26+s4], $0x80, $0x38;
	[tilespmem:$0x1C200] =	vst v63  }
0x42: {  	_ =	swait.ge [sflag:s17], $0x80  }
0x43: {  	[sflag:s17] =	ssyncset.done $0x0  }
0x44: {  	[sflag:s17] =	ssyncadd.s32 $0xFFFFFF80  }
0x45: {  	_ =	swait.ge [sflag:s20], $0x4000  }
0x46: {  	[sflag:s20] =	ssyncset.done $0x0  }
0x47: {  	s30 =	sadd.s32 $0x0, s15;
	[sflag:s20] =	ssyncadd.s32 $0xFFFFC000  }
0x48: {  	[tilespmem:s21], [sflag:$0x1] =	stream.indirect.gather [hbm4b:s0+s18], $0x80, s18, s18, $0xb8;
	[tilespmem:$0x1C200] =	vst v63  }
0x49: {  	s28 =	sadd.s32 $0x10, s30  }
0x4a: {  	[tilespmem:s22], [sflag:$0x2] =	stream.linear.gather [hbm4b:s28+s4], $0x80, $0x38;
	[tilespmem:$0x1C200] =	vst v63  }
0x4b: {  	_ =	swait.ge [sflag:s23], $0x80  }
0x4c: {  	[sflag:s23] =	ssyncset.done $0x0  }
0x4d: {  	[sflag:s23] =	ssyncadd.s32 $0xFFFFFF80  }
0x4e: {  	[spmem:s3] =	stream.indirect.scatter.add.f32 [tilespmem:s16], [sflag:$0x3], $0x80, s19, s18, $0xb8;
	[tilespmem:$0x1C200] =	vst v63  }
0x4f: {  	_ =	swait.ge [sflag:s17], $0x4000  }
0x50: {  	[sflag:s17] =	ssyncset.done $0x0  }
0x51: {  	s25 =	sadd.s32 $0x20, s31;
	[sflag:s17] =	ssyncadd.s32 $0xFFFFC000  }
0x52: {  	[tilespmem:s4], [sflag:$0x3] =	stream.linear.gather [hbm4b:s25+s4], $0x80, $0x38;
	[tilespmem:$0x1C200] =	vst v63  }
0x53: {  	_ =	swait.ge [sflag:s17], $0x80  }
0x54: {  	[sflag:s17] =	ssyncset.done $0x0  }
0x55: {  	[sflag:s17] =	ssyncadd.s32 $0xFFFFFF80  }
0x56: {  	_ =	swait.ge [sflag:s20], $0x4000  }
0x57: {  	[sflag:s20] =	ssyncset.done $0x0  }
0x58: {  	[sflag:s20] =	ssyncadd.s32 $0xFFFFC000  }
0x59: {  	[tilespmem:s16], [sflag:$0x1] =	stream.indirect.gather [hbm4b:s0+s18], $0x80, s4, s18, $0xb8;
	[tilespmem:$0x1C200] =	vst v63  }
0x5a: {  	s31 =	sadd.s32 $0x20, s30  }
0x5b: {  	[tilespmem:s19], [sflag:$0x2] =	stream.linear.gather [hbm4b:s31+s4], $0x80, $0x38;
	[tilespmem:$0x1C200] =	vst v63  }
0x5c: {  	_ =	swait.ge [sflag:s23], $0x80  }
0x5d: {  	[sflag:s23] =	ssyncset.done $0x0  }
0x5e: {  	[sflag:s23] =	ssyncadd.s32 $0xFFFFFF80  }
0x5f: {  	[spmem:s3] =	stream.indirect.scatter.add.f32 [tilespmem:s21], [sflag:$0x3], $0x80, s22, s18, $0xb8;
	[tilespmem:$0x1C200] =	vst v63  }
0x60: {  	s29 =	simm.s32 $0x40;
	_ =	swait.ge [sflag:s17], $0x4000  }
0x61: {  	s28 =	sadd.s32 $0x20, s14;
	s25 =	simm.s32 $0x20;
	[sflag:s17] =	ssyncset.done $0x0  }
.LBB2_4:
0x62: {  	s30 =	sadd.s32 $0x10, s28  }
0x63: {  	[sflag:s17] =	ssyncadd.s32 $0xFFFFC000;
	s31 =	smov.u32 s29;
	s26 =	sadd.s32 $0x20, s29  }
0x64: {  	[tilespmem:s18], [sflag:$0x3] =	stream.linear.gather [hbm4b:s30+s4], $0x80, $0x38;
	[tilespmem:$0x1C200] =	vst v63  }
0x65: {  	p0 =	sne.s32 s29, $0x4C0;
	_ =	swait.ge [sflag:s17], $0x80  }
0x66: {  	[sflag:s17] =	ssyncset.done $0x0  }
0x67: {  	[sflag:s17] =	ssyncadd.s32 $0xFFFFFF80  }
0x68: {  	_ =	swait.ge [sflag:s20], $0x4000  }
0x69: {  	[sflag:s20] =	ssyncset.done $0x0  }
0x6a: {  	s29 =	sadd.s32 s25, s15;
	s25 =	smov.u32 s31;
	[sflag:s20] =	ssyncadd.s32 $0xFFFFC000  }
0x6b: {  	[tilespmem:s21], [sflag:$0x1] =	stream.indirect.gather [hbm4b:s0+s18], $0x80, s18, s18, $0xb8;
	[tilespmem:$0x1C200] =	vst v63  }
0x6c: {  	s30 =	sadd.s32 $0x10, s29  }
0x6d: {  	[tilespmem:s22], [sflag:$0x2] =	stream.linear.gather [hbm4b:s30+s4], $0x80, $0x38;
	[tilespmem:$0x1C200] =	vst v63  }
0x6e: {  	_ =	swait.ge [sflag:s23], $0x80  }
0x6f: {  	[sflag:s23] =	ssyncset.done $0x0  }
0x70: {  	[sflag:s23] =	ssyncadd.s32 $0xFFFFFF80  }
0x71: {  	[spmem:s3] =	stream.indirect.scatter.add.f32 [tilespmem:s16], [sflag:$0x3], $0x80, s19, s18, $0xb8;
	[tilespmem:$0x1C200] =	vst v63  }
0x72: {  	_ =	swait.ge [sflag:s17], $0x4000  }
0x73: {  	[sflag:s17] =	ssyncset.done $0x0  }
0x74: {  	s28 =	sadd.s32 $0x20, s28;
	[sflag:s17] =	ssyncadd.s32 $0xFFFFC000  }
0x75: {  	[tilespmem:s4], [sflag:$0x3] =	stream.linear.gather [hbm4b:s28+s4], $0x80, $0x38;
	[tilespmem:$0x1C200] =	vst v63  }
0x76: {  	_ =	swait.ge [sflag:s17], $0x80  }
0x77: {  	[sflag:s17] =	ssyncset.done $0x0  }
0x78: {  	[sflag:s17] =	ssyncadd.s32 $0xFFFFFF80  }
0x79: {  	_ =	swait.ge [sflag:s20], $0x4000  }
0x7a: {  	[sflag:s20] =	ssyncset.done $0x0  }
0x7b: {  	[sflag:s20] =	ssyncadd.s32 $0xFFFFC000  }
0x7c: {  	[tilespmem:s16], [sflag:$0x1] =	stream.indirect.gather [hbm4b:s0+s18], $0x80, s4, s18, $0xb8;
	[tilespmem:$0x1C200] =	vst v63  }
0x7d: {  	s28 =	sadd.s32 $0x20, s29  }
0x7e: {  	[tilespmem:s19], [sflag:$0x2] =	stream.linear.gather [hbm4b:s28+s4], $0x80, $0x38;
	[tilespmem:$0x1C200] =	vst v63  }
0x7f: {  	_ =	swait.ge [sflag:s23], $0x80  }
.Ltmp1:
0x80: {  	[sflag:s23] =	ssyncset.done $0x0;
	(pc) =	sbr.rel @p0 .LBB2_4-.Ltmp1, $4  }
0x81: {  	[sflag:s23] =	ssyncadd.s32 $0xFFFFFF80  }
0x82: {  	[spmem:s3] =	stream.indirect.scatter.add.f32 [tilespmem:s21], [sflag:$0x3], $0x80, s22, s18, $0xb8;
	[tilespmem:$0x1C200] =	vst v63  }
0x83: {  	_ =	swait.ge [sflag:s17], $0x4000  }
0x84: {  	s29 =	smov.u32 s26;
	s28 =	sadd.s32 s25, s14;
	[sflag:s17] =	ssyncset.done $0x0  }
0x85: {  	s26 =	sadd.s32 $0x10, s28;
	[sflag:s17] =	ssyncadd.s32 $0xFFFFC000  }
0x86: {  	[tilespmem:s18], [sflag:$0x3] =	stream.linear.gather [hbm4b:s26+s4], $0x80, $0x38;
	[tilespmem:$0x1C200] =	vst v63  }
0x87: {  	_ =	swait.ge [sflag:s17], $0x80  }
0x88: {  	[sflag:s17] =	ssyncset.done $0x0  }
0x89: {  	[sflag:s17] =	ssyncadd.s32 $0xFFFFFF80  }
0x8a: {  	_ =	swait.ge [sflag:s20], $0x4000  }
0x8b: {  	[sflag:s20] =	ssyncset.done $0x0  }
0x8c: {  	s25 =	sadd.s32 s25, s15;
	[sflag:s20] =	ssyncadd.s32 $0xFFFFC000  }
0x8d: {  	[tilespmem:s21], [sflag:$0x1] =	stream.indirect.gather [hbm4b:s0+s18], $0x80, s18, s18, $0xb8;
	[tilespmem:$0x1C200] =	vst v63  }
0x8e: {  	s31 =	sadd.s32 $0x10, s25  }
0x8f: {  	[tilespmem:s22], [sflag:$0x2] =	stream.linear.gather [hbm4b:s31+s4], $0x80, $0x38;
	[tilespmem:$0x1C200] =	vst v63  }
0x90: {  	_ =	swait.ge [sflag:s23], $0x80  }
0x91: {  	[sflag:s23] =	ssyncset.done $0x0  }
0x92: {  	[sflag:s23] =	ssyncadd.s32 $0xFFFFFF80  }
0x93: {  	[spmem:s3] =	stream.indirect.scatter.add.f32 [tilespmem:s16], [sflag:$0x3], $0x80, s19, s18, $0xb8;
	[tilespmem:$0x1C200] =	vst v63  }
0x94: {  	_ =	swait.ge [sflag:s17], $0x4000  }
0x95: {  	[sflag:s17] =	ssyncset.done $0x0  }
0x96: {  	s29 =	sadd.s32 $0x20, s28;
	[sflag:s17] =	ssyncadd.s32 $0xFFFFC000  }
0x97: {  	[tilespmem:s4], [sflag:$0x3] =	stream.linear.gather [hbm4b:s29+s4], $0x80, $0x38;
	[tilespmem:$0x1C200] =	vst v63  }
0x98: {  	_ =	swait.ge [sflag:s17], $0x80  }
0x99: {  	[sflag:s17] =	ssyncset.done $0x0  }
0x9a: {  	[sflag:s17] =	ssyncadd.s32 $0xFFFFFF80  }
0x9b: {  	_ =	swait.ge [sflag:s20], $0x4000  }
0x9c: {  	[sflag:s20] =	ssyncset.done $0x0  }
0x9d: {  	[sflag:s20] =	ssyncadd.s32 $0xFFFFC000  }
0x9e: {  	[tilespmem:s16], [sflag:$0x1] =	stream.indirect.gather [hbm4b:s0+s18], $0x80, s4, s18, $0xb8;
	[tilespmem:$0x1C200] =	vst v63  }
0x9f: {  	s25 =	sadd.s32 $0x20, s25  }
0xa0: {  	[tilespmem:s19], [sflag:$0x2] =	stream.linear.gather [hbm4b:s25+s4], $0x80, $0x38;
	[tilespmem:$0x1C200] =	vst v63  }
0xa1: {  	_ =	swait.ge [sflag:s23], $0x80  }
0xa2: {  	[sflag:s23] =	ssyncset.done $0x0  }
0xa3: {  	[sflag:s23] =	ssyncadd.s32 $0xFFFFFF80  }
0xa4: {  	[spmem:s3] =	stream.indirect.scatter.add.f32 [tilespmem:s21], [sflag:$0x3], $0x80, s22, s18, $0xb8;
	[tilespmem:$0x1C200] =	vst v63  }
0xa5: {  	_ =	swait.ge [sflag:s17], $0x4000  }
0xa6: {  	[sflag:s17] =	ssyncset.done $0x0  }
0xa7: {  	[sflag:s17] =	ssyncadd.s32 $0xFFFFC000  }
0xa8: {  	_ =	swait.ge [sflag:s20], $0x4000  }
0xa9: {  	[sflag:s20] =	ssyncset.done $0x0  }
0xaa: {  	[sflag:s20] =	ssyncadd.s32 $0xFFFFC000  }
0xab: {  	_ =	swait.ge [sflag:s23], $0x80  }
0xac: {  	[sflag:s23] =	ssyncset.done $0x0  }
0xad: {  	[sflag:s23] =	ssyncadd.s32 $0xFFFFFF80  }
0xae: {  	[spmem:s3] =	stream.indirect.scatter.add.f32 [tilespmem:s16], [sflag:$0x3], $0x80, s19, s18, $0xb8;
	[tilespmem:$0x1C200] =	vst v63  }
0xaf: {  	_ =	swait.ge [sflag:s17], $0x4000  }
0xb0: {  	s30 =	sshll.u32 s2, $0x6;
	s24 =	sadd.s32 $0x1, s24;
	[sflag:s17] =	ssyncset.done $0x0  }
0xb1: {  	p0 =	sne.s32 s24, s13;
	s31 =	sshrl.u32 s5, $0x3;
	[sflag:s17] =	ssyncadd.s32 $0xFFFFC000  }
.Ltmp2:
0xb2: {  	s25 =	sor.u32 $0x1C03, s30;
	[bflag:$0x0] =	sbarrier.arrive $0xFFFF;
	(pc) =	sbr.rel @p0 .LBB2_1-.Ltmp2, $4  }
0xb3: {  	[hbm:s12], [sflag:s25] =	dma.local [spmem:s31], $0x2800  }
0xb4: {  	_ =	swait.ge [sflag:s17], $0x2800  }
0xb5: {  	[sflag:s17] =	ssyncset.done $0x0  }
0xb6: {  	[sflag:s17] =	ssyncadd.s32 $0xFFFFD800  }
0xb7: {  	_ =	sfence.sel $0x180000  }
0xb8: {  	[bflag:$0x0] =	sbarrier.arrive $0xFFFF  }
0xb9: {  	p0 =	sne.s32 s2, $0x0;
	_ =	strace $0x9000004A  }
0xba: {  	s0 =	sadd.s32 @!p0 $0x100000, s1;
	[bflag:$0x2] =	sbarrier.arrive $0xFFFF  }
0xbb: {  	[sflag:s0] =	ssyncadd.tile.s32 @!p0 $0x1;
	_ =	shalt  }
.Lfunc_end2:
_tile_overlayer_lowered:
.L_overlay_start_2:
0xbc: {  	(tag) =	ssettag $0x2  }
0xbd: {  	s0 =	rddreg [dreg:$0x0];
	s2 =	stileid.u32  }
0xbe: {  	s1 =	rddreg [dreg:$0x1];
	p0 =	sne.s32 s2, $0x0  }
0xbf: {  	s3 =	rddreg [dreg:$0x2];
	[bflag:$0x3] =	sbarrier.arrive $0xFFFF;
	s2 =	simm.s32 @!p0 $0x1C03  }
0xc0: {  	[timem:s3], [sflag:s2] =	dma.local @!p0 [hbm:s0], s1  }
0xc1: {  	s0 =	simm.s32 @!p0 $0x3  }
0xc2: {  	_ =	swait.ge @!p0 [sflag:s0], s1  }
0xc3: {  	s1 =	ssub.s32 @!p0 $0x0, s1;
	[sflag:s0] =	ssyncset.done @!p0 $0x0  }
0xc4: {  	[sflag:s0] =	ssyncadd.s32 @!p0 s1  }
0xc5: {  	[bflag:$0x3] =	sbarrier.arrive $0xFFFF  }
0xc6: {  	_ =	shalt  }

// kernel: kernel.14.cloned.1.call-start
scs
__scs_entry_jumppad:
0x0: {  	(pc) =	sbr.rel $0x88, $3  }
0x1: {  	(tag) =	ssettag $0x0;
	lr =	simm.s32 $0x1  }
0x2: {  	[smem:$0x3F9A] =	sst lr;
	_ =	strace $0xD0000000  }
0x3: {  	_ = 	snop  }
0x4: {  	_ = 	snop  }
0x5: {  	_ = 	snop  }
0x6: {  	_ = 	snop  }
0x7: {  	_ = 	snop  }
__scs_overlays_trampoline_lowered:
0x8: {  	[smem:$0x3FA9] =	sst s0  }
0x9: {  	[smem:$0x3FAA] =	sst s1  }
0xa: {  	[smem:$0x3FAB] =	sst s2  }
0xb: {  	[smem:$0x3FAC] =	sst s3  }
0xc: {  	[smem:$0x3FAD] =	sst s4  }
0xd: {  	[smem:$0x3FAE] =	sst s5  }
0xe: {  	[smem:$0x3FAF] =	sst s6  }
0xf: {  	[smem:$0x3FB0] =	sst s7  }
0x10: {  	[smem:$0x3FB1] =	sst s8  }
0x11: {  	[smem:$0x3FB2] =	sst s9;
	s0 =	simm.s32 @!p0 $0x0  }
0x12: {  	s1 =	sld [smem:$0x3F98];
	s0 =	simm.s32 @p0 $0x1  }
0x13: {  	[smem:$0x3FB3] =	sst s0;
	s0 =	simm.s32 @!p1 $0x0  }
0x14: {  	s2 =	sld [smem:$0x3F97];
	s0 =	simm.s32 @p1 $0x1  }
0x15: {  	[smem:$0x3FB4] =	sst s0;
	s0 =	simm.s32 @!p2 $0x0  }
0x16: {  	s3 =	sld [smem:$0x3FDB];
	s0 =	simm.s32 @p2 $0x1  }
0x17: {  	s4 =	simm.s32 $0x1BF5;
	[smem:$0x3FB6] =	sst s0  }
0x18: {  	s0 =	sld [smem:$0x3F99];
	_ =	swait.ge [sflag:s4], $0x0  }
0x19: {  	s7 =	sld [smem:$0x3F9A]  }
0x1a: {  	s8 =	sadd.s32 $0xFFFFE003, lr  }
0x1b: {  	s9 =	sadd.s32 $0xFFFFFEF7, lr;
	s5 =	simm.s32 $0xFFFFFFFF;
	p2 =	slt.u32 s8, $0xFFFFF086  }
0x1c: {  	p1 =	slt.u32 s9, $0xF7A;
	s5 =	simm.s32 @!p2 $0x0  }
0x1d: {  	s5 =	simm.s32 @p1 $0x1;
	p0 =	seq.s32 s7, s2  }
0x1e: {  	s7 =	smul.u32 @!p0 $0xF7A, s2;
	p2 =	seq.s32 @!p0 s5, $0x0  }
0x1f: {  	s9 =	smul.u32 $0xF7A, s1;
	s8 =	simm.s32 @!p0 $0x1BF5;
	p2 =	por !p2, p0  }
0x20: {  	[sflag:s8] =	ssyncset.s32 @!p0 $0xFFFFF086;
	s6 =	sadd.s32 @!p0 s3, s7;
	s7 =	simm.s32 @!p0 $0x108  }
0x21: {  	s3 =	sadd.s32 s3, s9;
	s6 =	sadd.s32 @!p0 $0x88, s6;
	s7 =	simm.s32 @p2 $0x1082  }
0x22: {  	[simem:s7], [sflag:s8] =	dma.local @!p0 [hbm:s6], $0xF7A  }
0x23: {  	s9 =	sor.u32 $0xD0000000, s2;
	s6 =	simm.s32 $0x108;
	_ =	swait.ge @!p0 [sflag:s8], $0x0  }
0x24: {  	s3 =	sadd.s32 $0x88, s3;
	s6 =	simm.s32 @!p1 $0x1082;
	[sflag:s4] =	ssyncset.s32 $0xFFFFF086  }
0x25: {  	[simem:s6], [sflag:s4] =	dma.local [hbm:s3], $0xF7A  }
0x26: {  	[smem:$0x3F9A] =	sst s1;
	(tag) =	ssettag s2;
	_ =	strace s9  }
0x27: {  	s1 =	sld [smem:$0x3FAA]  }
0x28: {  	s2 =	sld [smem:$0x3FAB]  }
0x29: {  	s4 =	sld [smem:$0x3FAD]  }
0x2a: {  	p0 =	seq.s32 s5, $0x0;
	s5 =	sld [smem:$0x3FAE]  }
0x2b: {  	s6 =	sld [smem:$0x3FAF]  }
0x2c: {  	s7 =	sld [smem:$0x3FB0]  }
0x2d: {  	s3 =	simm.s32 $0x108;
	s8 =	sld [smem:$0x3FB1]  }
0x2e: {  	s3 =	simm.s32 @!p0 $0x1082;
	s9 =	sld [smem:$0x3FB2]  }
0x2f: {  	lr =	sadd.s32 s0, s3;
	s0 =	sld [smem:$0x3FA9]  }
0x30: {  	s3 =	sld [smem:$0x3FAC]  }
0x31: {  	[smem:$0x3FB5] =	sst s10  }
0x32: {  	s10 =	sld [smem:$0x3FB3];
	_ =	sdelay $0x3  }
0x33: {  	p0 =	seq.s32 s10, $0x1;
	s10 =	sld [smem:$0x3FB5];
	_ =	sdelay $0x3  }
0x34: {  	[smem:$0x3FB5] =	sst s10  }
0x35: {  	s10 =	sld [smem:$0x3FB4];
	_ =	sdelay $0x3  }
0x36: {  	p1 =	seq.s32 s10, $0x1;
	s10 =	sld [smem:$0x3FB5];
	_ =	sdelay $0x3  }
0x37: {  	[smem:$0x3FB5] =	sst s10  }
0x38: {  	s10 =	sld [smem:$0x3FB6]  }
0x39: {  	_ = 	snop;
	(pc) =	sbr.ind lr, $3  }
0x3a: {  	_ = 	snop  }
0x3b: {  	_ = 	snop  }
0x3c: {  	p2 =	seq.s32 s10, $0x1;
	s10 =	sld [smem:$0x3FB5]  }
0x3d: {  	_ =	shalt  }
0x3e: {  	_ =	shalt  }
0x3f: {  	_ =	shalt  }
0x40: {  	_ =	shalt  }
0x41: {  	_ =	shalt  }
0x42: {  	_ =	shalt  }
0x43: {  	_ =	shalt  }
0x44: {  	_ =	shalt  }
0x45: {  	_ =	shalt  }
0x46: {  	_ =	shalt  }
0x47: {  	_ =	shalt  }
0x48: {  	_ =	shalt  }
0x49: {  	_ =	shalt  }
0x4a: {  	_ =	shalt  }
0x4b: {  	_ =	shalt  }
0x4c: {  	_ =	shalt  }
0x4d: {  	_ =	shalt  }
0x4e: {  	_ =	shalt  }
0x4f: {  	_ =	shalt  }
0x50: {  	_ =	shalt  }
0x51: {  	_ =	shalt  }
0x52: {  	_ =	shalt  }
0x53: {  	_ =	shalt  }
0x54: {  	_ =	shalt  }
0x55: {  	_ =	shalt  }
0x56: {  	_ =	shalt  }
0x57: {  	_ =	shalt  }
0x58: {  	_ =	shalt  }
0x59: {  	_ =	shalt  }
0x5a: {  	_ =	shalt  }
0x5b: {  	_ =	shalt  }
0x5c: {  	_ =	shalt  }
0x5d: {  	_ =	shalt  }
0x5e: {  	_ =	shalt  }
0x5f: {  	_ =	shalt  }
0x60: {  	_ =	shalt  }
0x61: {  	_ =	shalt  }
0x62: {  	_ =	shalt  }
0x63: {  	_ =	shalt  }
0x64: {  	_ =	shalt  }
0x65: {  	_ =	shalt  }
0x66: {  	_ =	shalt  }
0x67: {  	_ =	shalt  }
0x68: {  	_ =	shalt  }
0x69: {  	_ =	shalt  }
0x6a: {  	_ =	shalt  }
0x6b: {  	_ =	shalt  }
0x6c: {  	_ =	shalt  }
0x6d: {  	_ =	shalt  }
0x6e: {  	_ =	shalt  }
0x6f: {  	_ =	shalt  }
0x70: {  	_ =	shalt  }
0x71: {  	_ =	shalt  }
0x72: {  	_ =	shalt  }
0x73: {  	_ =	shalt  }
0x74: {  	_ =	shalt  }
0x75: {  	_ =	shalt  }
0x76: {  	_ =	shalt  }
0x77: {  	_ =	shalt  }
0x78: {  	_ =	shalt  }
0x79: {  	_ =	shalt  }
0x7a: {  	_ =	shalt  }
0x7b: {  	_ =	shalt  }
0x7c: {  	_ =	shalt  }
0x7d: {  	_ =	shalt  }
0x7e: {  	_ =	shalt  }
0x7f: {  	_ =	shalt  }
0x80: {  	_ =	shalt  }
0x81: {  	_ =	shalt  }
0x82: {  	_ =	shalt  }
0x83: {  	_ =	shalt  }
0x84: {  	_ =	shalt  }
0x85: {  	_ =	shalt  }
0x86: {  	_ =	shalt  }
0x87: {  	_ =	shalt  }
.Lfunc_end0:
.L_simem_size_0:
called_computation.2_lowered:
.L_overlay_start_0:
0x88: {  	s2 =	sld [smem:$0x3FD9]  }
0x89: {  	s3 =	sld [smem:$0x3FFE];
	_ =	sdelay $0x1  }
0x8a: {  	s1 =	srdreg.scid  }
0x8b: {  	s0 =	sand.u32 $0x1, s1  }
0x8c: {  	s14 =	sshll.u32 s0, $0xA;
	s2 =	sadd.s32 s3, s2  }
0x8d: {  	s2 =	sadd.s32 s2, s14  }
0x8e: {  	[smem:$0x3FC1] =	sst s2  }
0x8f: {  	_ = 	snop  }
0x90: {  	s2 =	sld [smem:$0x3FD0];
	_ =	sdelay $0x2  }
0x91: {  	s15 =	simm.s32 $0xA;
	s4 =	simm.s32 $0x10  }
0x92: {  	[smem:s4], [sflag:s15] =	dma.local [hbm:s2], $0x1  }
0x93: {  	_ =	swait.eq [sflag:s15], $0x1  }
0x94: {  	[sflag:s15] =	ssyncset.done $0x0  }
0x95: {  	[sflag:s15] =	ssyncadd.s32 $0xFFFFFFFF  }
0x96: {  	s16 =	sld [smem:$0x10];
	(tm) =	ssettm $0x1  }
0x97: {  	s17 =	sld [smem:$0x3FFB];
	_ =	sdelay $0x3  }
0x98: {  	_ =	strace s17  }
0x99: {  	s3 =	sld [smem:$0x3FFC];
	_ =	sdelay $0x3  }
0x9a: {  	_ =	strace s3  }
0x9b: {  	s3 =	sld [smem:$0x3FFD];
	_ =	sdelay $0x3  }
0x9c: {  	_ =	strace s3  }
0x9d: {  	_ =	strace $0x8FFFFFFF  }
0x9e: {  	s18 =	sld [smem:$0x3FDB];
	_ =	sdelay $0x1  }
0x9f: {  	s19 =	simm.s32 $_scs_section_size  }
0xa0: {  	s5 =	simm.s32 $_size__tile_overlayer_lowered;
	s6 =	simm.s32 $_tile_overlayer_lowered  }
0xa1: {  	s22 =	simm.s32 $0x1BFF;
	s21 =	sshll.u32 s6, $0x1;
	s3 =	sadd.s32 s19, s18  }
0xa2: {  	s7 =	simm.s32 $0x0;
	s20 =	sshll.u32 s5, $0x1;
	s5 =	sadd.s32 s21, s3  }
0xa3: {  	[timem:s7], [sflag:s22] =	dma.local [hbm:s5], s20  }
0xa4: {  	_ =	swait.ge [sflag:s22], s20  }
0xa5: {  	s4 =	ssub.s32 $0x0, s20;
	[sflag:s22] =	ssyncset.done $0x0  }
0xa6: {  	[sflag:s22] =	ssyncadd.s32 s4;
	_ =	sdelay $0x1  }
0xa7: {  	s23 =	simm.s32 $0x1B8B  }
0xa8: {  	_ =	swait.ge [sflag:s23], $0x1  }
0xa9: {  	[sflag:s23] =	ssyncset.done $0x0  }
0xaa: {  	s25 =	simm.s32 $0x1B8E;
	s24 =	sld [smem:$0x3FFE];
	[sflag:s23] =	ssyncadd.s32 $0xFFFFFFFF  }
0xab: {  	s26 =	simm.s32 $execute0_lowered;
	[smem:$0x3FD2] =	sst s25  }
0xac: {  	s5 =	sshll.u32 s26, $0x1;
	_ =	strace $0x8000004C;
	[dreg:$0x1] =	wrdreg $0xFFFFFFFF  }
0xad: {  	s28 =	simm.s32 $_size_execute0_lowered;
	s3 =	sadd.s32 s3, s5;
	[dreg:$0x0] =	wrdreg $0x0  }
0xae: {  	s5 =	sshll.u32 s28, $0x1;
	[dreg:$0x2] =	wrdreg s3  }
0xaf: {  	[dreg:$0x3] =	wrdreg s5  }
0xb0: {  	[dreg:$0x4] =	wrdreg $0xC0  }
0xb1: {  	_ =	task [dreg:s7], $0x5FFFF  }
0xb2: {  	[dreg:$0x1] =	wrdreg $0xFFFFFFFF  }
0xb3: {  	[dreg:$0x0] =	wrdreg $0x60  }
0xb4: {  	[dreg:$0x2] =	wrdreg s16  }
0xb5: {  	[dreg:$0x3] =	wrdreg s24  }
0xb6: {  	[dreg:$0x4] =	wrdreg $0x82000  }
0xb7: {  	[dreg:$0x5] =	wrdreg $0x9  }
0xb8: {  	_ =	task.clear_ibuf [dreg:s7], $0x6FFFF;
	_ =	strace $0x9000004C  }
0xb9: {  	s29 =	simm.s32 $0x9;
	_ =	strace $0x8000004E  }
0xba: {  	_ =	swait.ge [sflag:s29], $0x1  }
0xbb: {  	[sflag:s29] =	ssyncadd.s32 $0xFFFFFFFF  }
0xbc: {  	_ =	strace $0x9000004E  }
0xbd: {  	_ =	sfence  }
0xbe: {  	s30 =	sld [smem:$0x0];
	_ =	sdelay $0x2  }
0xbf: {  	s31 =	sshll.u32 s1, $0xD;
	s1 =	sshrl.u32 s1, $0x2  }
0xc0: {  	s3 =	sand.u32 $0x4000, s31;
	s1 =	sadd.s32 s1, s30  }
0xc1: {  	s0 =	sor.u32 s3, s0;
	s1 =	sshll.u32 s1, $0x11  }
0xc2: {  	s0 =	sor.u32 s1, s0  }
0xc3: {  	s0 =	sadd.s32 $0x8F2B, s0  }
0xc4: {  	[sflag:s0] =	ssyncadd.remote.s32 $0x1  }
0xc5: {  	_ =	sfence.sel $0xFFFF  }
0xc6: {  	[dreg:$0x0] =	wrdreg $0xFFFFFFFF;
	(pc) =	sbr.abs _section_cstart, $3  }
0xc7: {  	[dreg:$0x1] =	wrdreg $0xFFFFFFFF  }
0xc8: {  	_ =	task.clear_ibuf [dreg:s7], $0x2FFFF;
	_ =	strace $0x9FFFFFFF  }
0xc9: {  	(tm) =	ssettm $0x7FFFFFFF  }
tec
execute0_lowered:
.L_overlay_start_1:
0x0: {  	(tag) =	ssettag $0x1  }
0x1: {  	s0 =	rddreg [dreg:$0x0]  }
0x2: {  	s5 =	rddreg [dreg:$0x1]  }
0x3: {  	s1 =	srdreg.scid;
	s3 =	rddreg [dreg:$0x2]  }
0x4: {  	s2 =	stileid.u32;
	s4 =	simm.s32 $0x0;
	s19 =	simm.s32 $0x100  }
0x5: {  	s20 =	simm.s32 $0x1;
	s21 =	simm.s32 $0x4200;
	s22 =	simm.s32 $0x180  }
0x6: {  	s23 =	simm.s32 $0x2;
	s24 =	simm.s32 $0x0;
	s7 =	smul.u32 $0x14000, s2  }
0x7: {  	s10 =	sand.u32 $0x1, s1;
	s1 =	rddreg [dreg:$0x3];
	s29 =	smul.u32 $0x50000, s2  }
0x8: {  	[smem:$0x7FF] =	sst s4;
	s13 =	sadd.s32 $0xD400, s5;
	s17 =	smul.u32 $0x4F0, s2  }
0x9: {  	s14 =	sadd.s32 $0x3600, s5;
	s6 =	smul.u32 $0x140000, s10;
	_ =	strace $0x8000004D  }
0xa: {  	s30 =	ssub.s32 $0x2, s10;
	s8 =	sshll.u32 s10, $0x4;
	s16 =	smul.u32 $0x4F00, s10  }
0xb: {  	s31 =	sshrl.u32 s30, $0x1;
	s8 =	sor.u32 s2, s8;
	s6 =	sadd.s32 s7, s6  }
0xc: {  	s7 =	sshrl.u32 s29, $0x2;
	s15 =	ssub.s32 s30, s31;
	s11 =	smul.u32 $0x4F0, s8  }
0xd: {  	s18 =	sadd.s32 s16, s13;
	s16 =	sadd.s32 s16, s14;
	s6 =	sshrl.u32 s6, $0x3  }
0xe: {  	s12 =	sadd.s32 s6, s5;
	s5 =	sadd.s32 s7, s3;
	s10 =	sadd.s32 s13, s11  }
0xf: {  	s11 =	sadd.s32 s14, s11;
	s13 =	smax.u32 s15, $0x1;
	s14 =	sadd.s32 s17, s18  }
0x10: {  	s15 =	sadd.s32 s17, s16;
	s16 =	simm.s32 $0x200;
	s17 =	simm.s32 $0x3  }
0x11: {  	s18 =	simm.s32 $0x80;
	s6 =	sadd.s32 $0x4000, s5;
	s7 =	sadd.s32 $0x8000, s5  }
0x12: {  	v0 =	vimm.f32 $0.0e+00;
	s8 =	sadd.s32 $0xC000, s5;
	s9 =	sadd.s32 $0x10000, s5;
	s12 =	sadd.s32 $0x65600, s12  }
.LBB2_1:
0x13: {  	s25 =	simm.s32 $0x0;
	s26 =	simm.s32 $0x200  }
.LBB2_2:
0x14: {  	p0 =	sne.s32 s26, $0xFE00;
	[tilespmem:s25+$0x270] =	vst v0  }
0x15: {  	[tilespmem:s25+$0x200] =	vst v0  }
0x16: {  	[tilespmem:s25+$0x210] =	vst v0  }
.Ltmp0:
0x17: {  	[tilespmem:s25+$0x220] =	vst v0;
	(pc) =	sbr.rel @p0 .LBB2_2-.Ltmp0, $4  }
0x18: {  	[tilespmem:s25+$0x230] =	vst v0  }
0x19: {  	[tilespmem:s25+$0x240] =	vst v0  }
0x1a: {  	[tilespmem:s25+$0x250] =	vst v0  }
0x1b: {  	[tilespmem:s25+$0x260] =	vst v0;
	s25 =	sshra.s32 s26, $0x2;
	s26 =	sadd.s32 $0x200, s26  }
0x1c: {  	[tilespmem:s25+$0x270] =	vst v0  }
0x1d: {  	[tilespmem:s25+$0x200] =	vst v0  }
0x1e: {  	[tilespmem:s25+$0x210] =	vst v0  }
0x1f: {  	[tilespmem:s25+$0x220] =	vst v0  }
0x20: {  	[tilespmem:s25+$0x230] =	vst v0  }
0x21: {  	[tilespmem:s25+$0x240] =	vst v0  }
0x22: {  	[tilespmem:s25+$0x250] =	vst v0  }
0x23: {  	[tilespmem:s25+$0x260] =	vst v0  }
0x24: {  	[spmem:s5] =	stream.linear.scatter [tilespmem:s16], [sflag:$0x3], $0x4000, $0x38;
	[tilespmem:$0x1C200] =	vst v63  }
0x25: {  	_ =	swait.ge [sflag:s17], $0x4000  }
0x26: {  	[sflag:s17] =	ssyncset.done $0x0  }
0x27: {  	[sflag:s17] =	ssyncadd.s32 $0xFFFFC000  }
0x28: {  	[spmem:s6] =	stream.linear.scatter [tilespmem:s16], [sflag:$0x3], $0x4000, $0x38;
	[tilespmem:$0x1C200] =	vst v63  }
0x29: {  	_ =	swait.ge [sflag:s17], $0x4000  }
0x2a: {  	[sflag:s17] =	ssyncset.done $0x0  }
0x2b: {  	[sflag:s17] =	ssyncadd.s32 $0xFFFFC000  }
0x2c: {  	[spmem:s7] =	stream.linear.scatter [tilespmem:s16], [sflag:$0x3], $0x4000, $0x38;
	[tilespmem:$0x1C200] =	vst v63  }
0x2d: {  	_ =	swait.ge [sflag:s17], $0x4000  }
0x2e: {  	[sflag:s17] =	ssyncset.done $0x0  }
0x2f: {  	[sflag:s17] =	ssyncadd.s32 $0xFFFFC000  }
0x30: {  	[spmem:s8] =	stream.linear.scatter [tilespmem:s16], [sflag:$0x3], $0x4000, $0x38;
	[tilespmem:$0x1C200] =	vst v63  }
0x31: {  	_ =	swait.ge [sflag:s17], $0x4000  }
0x32: {  	[sflag:s17] =	ssyncset.done $0x0  }
0x33: {  	[sflag:s17] =	ssyncadd.s32 $0xFFFFC000  }
0x34: {  	[spmem:s9] =	stream.linear.scatter [tilespmem:s16], [sflag:$0x3], $0x4000, $0x38;
	[tilespmem:$0x1C200] =	vst v63  }
0x35: {  	_ =	swait.ge [sflag:s17], $0x4000  }
0x36: {  	[sflag:s17] =	ssyncset.done $0x0  }
0x37: {  	[sflag:s17] =	ssyncadd.s32 $0xFFFFC000  }
0x38: {  	s30 =	simm.s32 $0x0;
	[bflag:$0x0] =	sbarrier.arrive $0xFFFF  }
0x39: {  	[tilespmem:s30], [sflag:$0x3] =	stream.linear.gather [hbm4b:s10+s30], $0x80, $0x38;
	[tilespmem:$0x1C200] =	vst v63  }
0x3a: {  	_ =	swait.ge [sflag:s17], $0x80  }
0x3b: {  	[sflag:s17] =	ssyncset.done $0x0  }
0x3c: {  	[sflag:s17] =	ssyncadd.s32 $0xFFFFFF80  }
0x3d: {  	[tilespmem:s16], [sflag:$0x1] =	stream.indirect.gather [hbm4b:s0+s18], $0x80, s30, s18, $0xb8;
	[tilespmem:$0x1C200] =	vst v63  }
0x3e: {  	s31 =	sadd.s32 $0x0, s14  }
0x3f: {  	[tilespmem:s19], [sflag:$0x2] =	stream.linear.gather [hbm4b:s11+s30], $0x80, $0x38;
	[tilespmem:$0x1C200] =	vst v63  }
0x40: {  	s26 =	sadd.s32 $0x10, s31  }
0x41: {  	[tilespmem:s18], [sflag:$0x3] =	stream.linear.gather [hbm4b:s26+s4], $0x80, $0x38;
	[tilespmem:$0x1C200] =	vst v63  }
0x42: {  	_ =	swait.ge [sflag:s17], $0x80  }
0x43: {  	[sflag:s17] =	ssyncset.done $0x0  }
0x44: {  	[sflag:s17] =	ssyncadd.s32 $0xFFFFFF80  }
0x45: {  	_ =	swait.ge [sflag:s20], $0x4000  }
0x46: {  	[sflag:s20] =	ssyncset.done $0x0  }
0x47: {  	s30 =	sadd.s32 $0x0, s15;
	[sflag:s20] =	ssyncadd.s32 $0xFFFFC000  }
0x48: {  	[tilespmem:s21], [sflag:$0x1] =	stream.indirect.gather [hbm4b:s0+s18], $0x80, s18, s18, $0xb8;
	[tilespmem:$0x1C200] =	vst v63  }
0x49: {  	s28 =	sadd.s32 $0x10, s30  }
0x4a: {  	[tilespmem:s22], [sflag:$0x2] =	stream.linear.gather [hbm4b:s28+s4], $0x80, $0x38;
	[tilespmem:$0x1C200] =	vst v63  }
0x4b: {  	_ =	swait.ge [sflag:s23], $0x80  }
0x4c: {  	[sflag:s23] =	ssyncset.done $0x0  }
0x4d: {  	[sflag:s23] =	ssyncadd.s32 $0xFFFFFF80  }
0x4e: {  	[spmem:s3] =	stream.indirect.scatter.add.f32 [tilespmem:s16], [sflag:$0x3], $0x80, s19, s18, $0xb8;
	[tilespmem:$0x1C200] =	vst v63  }
0x4f: {  	_ =	swait.ge [sflag:s17], $0x4000  }
0x50: {  	[sflag:s17] =	ssyncset.done $0x0  }
0x51: {  	s25 =	sadd.s32 $0x20, s31;
	[sflag:s17] =	ssyncadd.s32 $0xFFFFC000  }
0x52: {  	[tilespmem:s4], [sflag:$0x3] =	stream.linear.gather [hbm4b:s25+s4], $0x80, $0x38;
	[tilespmem:$0x1C200] =	vst v63  }
0x53: {  	_ =	swait.ge [sflag:s17], $0x80  }
0x54: {  	[sflag:s17] =	ssyncset.done $0x0  }
0x55: {  	[sflag:s17] =	ssyncadd.s32 $0xFFFFFF80  }
0x56: {  	_ =	swait.ge [sflag:s20], $0x4000  }
0x57: {  	[sflag:s20] =	ssyncset.done $0x0  }
0x58: {  	[sflag:s20] =	ssyncadd.s32 $0xFFFFC000  }
0x59: {  	[tilespmem:s16], [sflag:$0x1] =	stream.indirect.gather [hbm4b:s0+s18], $0x80, s4, s18, $0xb8;
	[tilespmem:$0x1C200] =	vst v63  }
0x5a: {  	s31 =	sadd.s32 $0x20, s30  }
0x5b: {  	[tilespmem:s19], [sflag:$0x2] =	stream.linear.gather [hbm4b:s31+s4], $0x80, $0x38;
	[tilespmem:$0x1C200] =	vst v63  }
0x5c: {  	_ =	swait.ge [sflag:s23], $0x80  }
0x5d: {  	[sflag:s23] =	ssyncset.done $0x0  }
0x5e: {  	[sflag:s23] =	ssyncadd.s32 $0xFFFFFF80  }
0x5f: {  	[spmem:s3] =	stream.indirect.scatter.add.f32 [tilespmem:s21], [sflag:$0x3], $0x80, s22, s18, $0xb8;
	[tilespmem:$0x1C200] =	vst v63  }
0x60: {  	s29 =	simm.s32 $0x40;
	_ =	swait.ge [sflag:s17], $0x4000  }
0x61: {  	s28 =	sadd.s32 $0x20, s14;
	s25 =	simm.s32 $0x20;
	[sflag:s17] =	ssyncset.done $0x0  }
.LBB2_4:
0x62: {  	s30 =	sadd.s32 $0x10, s28  }
0x63: {  	[sflag:s17] =	ssyncadd.s32 $0xFFFFC000;
	s31 =	smov.u32 s29;
	s26 =	sadd.s32 $0x20, s29  }
0x64: {  	[tilespmem:s18], [sflag:$0x3] =	stream.linear.gather [hbm4b:s30+s4], $0x80, $0x38;
	[tilespmem:$0x1C200] =	vst v63  }
0x65: {  	p0 =	sne.s32 s29, $0x4C0;
	_ =	swait.ge [sflag:s17], $0x80  }
0x66: {  	[sflag:s17] =	ssyncset.done $0x0  }
0x67: {  	[sflag:s17] =	ssyncadd.s32 $0xFFFFFF80  }
0x68: {  	_ =	swait.ge [sflag:s20], $0x4000  }
0x69: {  	[sflag:s20] =	ssyncset.done $0x0  }
0x6a: {  	s29 =	sadd.s32 s25, s15;
	s25 =	smov.u32 s31;
	[sflag:s20] =	ssyncadd.s32 $0xFFFFC000  }
0x6b: {  	[tilespmem:s21], [sflag:$0x1] =	stream.indirect.gather [hbm4b:s0+s18], $0x80, s18, s18, $0xb8;
	[tilespmem:$0x1C200] =	vst v63  }
0x6c: {  	s30 =	sadd.s32 $0x10, s29  }
0x6d: {  	[tilespmem:s22], [sflag:$0x2] =	stream.linear.gather [hbm4b:s30+s4], $0x80, $0x38;
	[tilespmem:$0x1C200] =	vst v63  }
0x6e: {  	_ =	swait.ge [sflag:s23], $0x80  }
0x6f: {  	[sflag:s23] =	ssyncset.done $0x0  }
0x70: {  	[sflag:s23] =	ssyncadd.s32 $0xFFFFFF80  }
0x71: {  	[spmem:s3] =	stream.indirect.scatter.add.f32 [tilespmem:s16], [sflag:$0x3], $0x80, s19, s18, $0xb8;
	[tilespmem:$0x1C200] =	vst v63  }
0x72: {  	_ =	swait.ge [sflag:s17], $0x4000  }
0x73: {  	[sflag:s17] =	ssyncset.done $0x0  }
0x74: {  	s28 =	sadd.s32 $0x20, s28;
	[sflag:s17] =	ssyncadd.s32 $0xFFFFC000  }
0x75: {  	[tilespmem:s4], [sflag:$0x3] =	stream.linear.gather [hbm4b:s28+s4], $0x80, $0x38;
	[tilespmem:$0x1C200] =	vst v63  }
0x76: {  	_ =	swait.ge [sflag:s17], $0x80  }
0x77: {  	[sflag:s17] =	ssyncset.done $0x0  }
0x78: {  	[sflag:s17] =	ssyncadd.s32 $0xFFFFFF80  }
0x79: {  	_ =	swait.ge [sflag:s20], $0x4000  }
0x7a: {  	[sflag:s20] =	ssyncset.done $0x0  }
0x7b: {  	[sflag:s20] =	ssyncadd.s32 $0xFFFFC000  }
0x7c: {  	[tilespmem:s16], [sflag:$0x1] =	stream.indirect.gather [hbm4b:s0+s18], $0x80, s4, s18, $0xb8;
	[tilespmem:$0x1C200] =	vst v63  }
0x7d: {  	s28 =	sadd.s32 $0x20, s29  }
0x7e: {  	[tilespmem:s19], [sflag:$0x2] =	stream.linear.gather [hbm4b:s28+s4], $0x80, $0x38;
	[tilespmem:$0x1C200] =	vst v63  }
0x7f: {  	_ =	swait.ge [sflag:s23], $0x80  }
.Ltmp1:
0x80: {  	[sflag:s23] =	ssyncset.done $0x0;
	(pc) =	sbr.rel @p0 .LBB2_4-.Ltmp1, $4  }
0x81: {  	[sflag:s23] =	ssyncadd.s32 $0xFFFFFF80  }
0x82: {  	[spmem:s3] =	stream.indirect.scatter.add.f32 [tilespmem:s21], [sflag:$0x3], $0x80, s22, s18, $0xb8;
	[tilespmem:$0x1C200] =	vst v63  }
0x83: {  	_ =	swait.ge [sflag:s17], $0x4000  }
0x84: {  	s29 =	smov.u32 s26;
	s28 =	sadd.s32 s25, s14;
	[sflag:s17] =	ssyncset.done $0x0  }
0x85: {  	s26 =	sadd.s32 $0x10, s28;
	[sflag:s17] =	ssyncadd.s32 $0xFFFFC000  }
0x86: {  	[tilespmem:s18], [sflag:$0x3] =	stream.linear.gather [hbm4b:s26+s4], $0x80, $0x38;
	[tilespmem:$0x1C200] =	vst v63  }
0x87: {  	_ =	swait.ge [sflag:s17], $0x80  }
0x88: {  	[sflag:s17] =	ssyncset.done $0x0  }
0x89: {  	[sflag:s17] =	ssyncadd.s32 $0xFFFFFF80  }
0x8a: {  	_ =	swait.ge [sflag:s20], $0x4000  }
0x8b: {  	[sflag:s20] =	ssyncset.done $0x0  }
0x8c: {  	s25 =	sadd.s32 s25, s15;
	[sflag:s20] =	ssyncadd.s32 $0xFFFFC000  }
0x8d: {  	[tilespmem:s21], [sflag:$0x1] =	stream.indirect.gather [hbm4b:s0+s18], $0x80, s18, s18, $0xb8;
	[tilespmem:$0x1C200] =	vst v63  }
0x8e: {  	s31 =	sadd.s32 $0x10, s25  }
0x8f: {  	[tilespmem:s22], [sflag:$0x2] =	stream.linear.gather [hbm4b:s31+s4], $0x80, $0x38;
	[tilespmem:$0x1C200] =	vst v63  }
0x90: {  	_ =	swait.ge [sflag:s23], $0x80  }
0x91: {  	[sflag:s23] =	ssyncset.done $0x0  }
0x92: {  	[sflag:s23] =	ssyncadd.s32 $0xFFFFFF80  }
0x93: {  	[spmem:s3] =	stream.indirect.scatter.add.f32 [tilespmem:s16], [sflag:$0x3], $0x80, s19, s18, $0xb8;
	[tilespmem:$0x1C200] =	vst v63  }
0x94: {  	_ =	swait.ge [sflag:s17], $0x4000  }
0x95: {  	[sflag:s17] =	ssyncset.done $0x0  }
0x96: {  	s29 =	sadd.s32 $0x20, s28;
	[sflag:s17] =	ssyncadd.s32 $0xFFFFC000  }
0x97: {  	[tilespmem:s4], [sflag:$0x3] =	stream.linear.gather [hbm4b:s29+s4], $0x80, $0x38;
	[tilespmem:$0x1C200] =	vst v63  }
0x98: {  	_ =	swait.ge [sflag:s17], $0x80  }
0x99: {  	[sflag:s17] =	ssyncset.done $0x0  }
0x9a: {  	[sflag:s17] =	ssyncadd.s32 $0xFFFFFF80  }
0x9b: {  	_ =	swait.ge [sflag:s20], $0x4000  }
0x9c: {  	[sflag:s20] =	ssyncset.done $0x0  }
0x9d: {  	[sflag:s20] =	ssyncadd.s32 $0xFFFFC000  }
0x9e: {  	[tilespmem:s16], [sflag:$0x1] =	stream.indirect.gather [hbm4b:s0+s18], $0x80, s4, s18, $0xb8;
	[tilespmem:$0x1C200] =	vst v63  }
0x9f: {  	s25 =	sadd.s32 $0x20, s25  }
0xa0: {  	[tilespmem:s19], [sflag:$0x2] =	stream.linear.gather [hbm4b:s25+s4], $0x80, $0x38;
	[tilespmem:$0x1C200] =	vst v63  }
0xa1: {  	_ =	swait.ge [sflag:s23], $0x80  }
0xa2: {  	[sflag:s23] =	ssyncset.done $0x0  }
0xa3: {  	[sflag:s23] =	ssyncadd.s32 $0xFFFFFF80  }
0xa4: {  	[spmem:s3] =	stream.indirect.scatter.add.f32 [tilespmem:s21], [sflag:$0x3], $0x80, s22, s18, $0xb8;
	[tilespmem:$0x1C200] =	vst v63  }
0xa5: {  	_ =	swait.ge [sflag:s17], $0x4000  }
0xa6: {  	[sflag:s17] =	ssyncset.done $0x0  }
0xa7: {  	[sflag:s17] =	ssyncadd.s32 $0xFFFFC000  }
0xa8: {  	_ =	swait.ge [sflag:s20], $0x4000  }
0xa9: {  	[sflag:s20] =	ssyncset.done $0x0  }
0xaa: {  	[sflag:s20] =	ssyncadd.s32 $0xFFFFC000  }
0xab: {  	_ =	swait.ge [sflag:s23], $0x80  }
0xac: {  	[sflag:s23] =	ssyncset.done $0x0  }
0xad: {  	[sflag:s23] =	ssyncadd.s32 $0xFFFFFF80  }
0xae: {  	[spmem:s3] =	stream.indirect.scatter.add.f32 [tilespmem:s16], [sflag:$0x3], $0x80, s19, s18, $0xb8;
	[tilespmem:$0x1C200] =	vst v63  }
0xaf: {  	_ =	swait.ge [sflag:s17], $0x4000  }
0xb0: {  	s30 =	sshll.u32 s2, $0x6;
	s24 =	sadd.s32 $0x1, s24;
	[sflag:s17] =	ssyncset.done $0x0  }
0xb1: {  	p0 =	sne.s32 s24, s13;
	s31 =	sshrl.u32 s5, $0x3;
	[sflag:s17] =	ssyncadd.s32 $0xFFFFC000  }
.Ltmp2:
0xb2: {  	s25 =	sor.u32 $0x1C03, s30;
	[bflag:$0x0] =	sbarrier.arrive $0xFFFF;
	(pc) =	sbr.rel @p0 .LBB2_1-.Ltmp2, $4  }
0xb3: {  	[hbm:s12], [sflag:s25] =	dma.local [spmem:s31], $0x2800  }
0xb4: {  	_ =	swait.ge [sflag:s17], $0x2800  }
0xb5: {  	[sflag:s17] =	ssyncset.done $0x0  }
0xb6: {  	[sflag:s17] =	ssyncadd.s32 $0xFFFFD800  }
0xb7: {  	_ =	sfence.sel $0x180000  }
0xb8: {  	[bflag:$0x0] =	sbarrier.arrive $0xFFFF  }
0xb9: {  	p0 =	sne.s32 s2, $0x0;
	_ =	strace $0x9000004D  }
0xba: {  	s0 =	sadd.s32 @!p0 $0x100000, s1;
	[bflag:$0x2] =	sbarrier.arrive $0xFFFF  }
0xbb: {  	[sflag:s0] =	ssyncadd.tile.s32 @!p0 $0x1;
	_ =	shalt  }
.Lfunc_end2:
_tile_overlayer_lowered:
.L_overlay_start_2:
0xbc: {  	(tag) =	ssettag $0x2  }
0xbd: {  	s0 =	rddreg [dreg:$0x0];
	s2 =	stileid.u32  }
0xbe: {  	s1 =	rddreg [dreg:$0x1];
	p0 =	sne.s32 s2, $0x0  }
0xbf: {  	s3 =	rddreg [dreg:$0x2];
	[bflag:$0x3] =	sbarrier.arrive $0xFFFF;
	s2 =	simm.s32 @!p0 $0x1C03  }
0xc0: {  	[timem:s3], [sflag:s2] =	dma.local @!p0 [hbm:s0], s1  }
0xc1: {  	s0 =	simm.s32 @!p0 $0x3  }
0xc2: {  	_ =	swait.ge @!p0 [sflag:s0], s1  }
0xc3: {  	s1 =	ssub.s32 @!p0 $0x0, s1;
	[sflag:s0] =	ssyncset.done @!p0 $0x0  }
0xc4: {  	[sflag:s0] =	ssyncadd.s32 @!p0 s1  }
0xc5: {  	[bflag:$0x3] =	sbarrier.arrive $0xFFFF  }
0xc6: {  	_ =	shalt  }

// kernel: kernel.8.cloned.1.call-start
scs
__scs_entry_jumppad:
0x0: {  	(pc) =	sbr.rel $0x88, $3  }
0x1: {  	(tag) =	ssettag $0x0;
	lr =	simm.s32 $0x1  }
0x2: {  	[smem:$0x3F9A] =	sst lr;
	_ =	strace $0xD0000000  }
0x3: {  	_ = 	snop  }
0x4: {  	_ = 	snop  }
0x5: {  	_ = 	snop  }
0x6: {  	_ = 	snop  }
0x7: {  	_ = 	snop  }
__scs_overlays_trampoline_lowered:
0x8: {  	[smem:$0x3FA9] =	sst s0  }
0x9: {  	[smem:$0x3FAA] =	sst s1  }
0xa: {  	[smem:$0x3FAB] =	sst s2  }
0xb: {  	[smem:$0x3FAC] =	sst s3  }
0xc: {  	[smem:$0x3FAD] =	sst s4  }
0xd: {  	[smem:$0x3FAE] =	sst s5  }
0xe: {  	[smem:$0x3FAF] =	sst s6  }
0xf: {  	[smem:$0x3FB0] =	sst s7  }
0x10: {  	[smem:$0x3FB1] =	sst s8  }
0x11: {  	[smem:$0x3FB2] =	sst s9;
	s0 =	simm.s32 @!p0 $0x0  }
0x12: {  	s1 =	sld [smem:$0x3F98];
	s0 =	simm.s32 @p0 $0x1  }
0x13: {  	[smem:$0x3FB3] =	sst s0;
	s0 =	simm.s32 @!p1 $0x0  }
0x14: {  	s2 =	sld [smem:$0x3F97];
	s0 =	simm.s32 @p1 $0x1  }
0x15: {  	[smem:$0x3FB4] =	sst s0;
	s0 =	simm.s32 @!p2 $0x0  }
0x16: {  	s3 =	sld [smem:$0x3FDB];
	s0 =	simm.s32 @p2 $0x1  }
0x17: {  	s4 =	simm.s32 $0x1BF5;
	[smem:$0x3FB6] =	sst s0  }
0x18: {  	s0 =	sld [smem:$0x3F99];
	_ =	swait.ge [sflag:s4], $0x0  }
0x19: {  	s7 =	sld [smem:$0x3F9A]  }
0x1a: {  	s8 =	sadd.s32 $0xFFFFE003, lr  }
0x1b: {  	s9 =	sadd.s32 $0xFFFFFEF7, lr;
	s5 =	simm.s32 $0xFFFFFFFF;
	p2 =	slt.u32 s8, $0xFFFFF086  }
0x1c: {  	p1 =	slt.u32 s9, $0xF7A;
	s5 =	simm.s32 @!p2 $0x0  }
0x1d: {  	s5 =	simm.s32 @p1 $0x1;
	p0 =	seq.s32 s7, s2  }
0x1e: {  	s7 =	smul.u32 @!p0 $0xF7A, s2;
	p2 =	seq.s32 @!p0 s5, $0x0  }
0x1f: {  	s9 =	smul.u32 $0xF7A, s1;
	s8 =	simm.s32 @!p0 $0x1BF5;
	p2 =	por !p2, p0  }
0x20: {  	[sflag:s8] =	ssyncset.s32 @!p0 $0xFFFFF086;
	s6 =	sadd.s32 @!p0 s3, s7;
	s7 =	simm.s32 @!p0 $0x108  }
0x21: {  	s3 =	sadd.s32 s3, s9;
	s6 =	sadd.s32 @!p0 $0x88, s6;
	s7 =	simm.s32 @p2 $0x1082  }
0x22: {  	[simem:s7], [sflag:s8] =	dma.local @!p0 [hbm:s6], $0xF7A  }
0x23: {  	s9 =	sor.u32 $0xD0000000, s2;
	s6 =	simm.s32 $0x108;
	_ =	swait.ge @!p0 [sflag:s8], $0x0  }
0x24: {  	s3 =	sadd.s32 $0x88, s3;
	s6 =	simm.s32 @!p1 $0x1082;
	[sflag:s4] =	ssyncset.s32 $0xFFFFF086  }
0x25: {  	[simem:s6], [sflag:s4] =	dma.local [hbm:s3], $0xF7A  }
0x26: {  	[smem:$0x3F9A] =	sst s1;
	(tag) =	ssettag s2;
	_ =	strace s9  }
0x27: {  	s1 =	sld [smem:$0x3FAA]  }
0x28: {  	s2 =	sld [smem:$0x3FAB]  }
0x29: {  	s4 =	sld [smem:$0x3FAD]  }
0x2a: {  	p0 =	seq.s32 s5, $0x0;
	s5 =	sld [smem:$0x3FAE]  }
0x2b: {  	s6 =	sld [smem:$0x3FAF]  }
0x2c: {  	s7 =	sld [smem:$0x3FB0]  }
0x2d: {  	s3 =	simm.s32 $0x108;
	s8 =	sld [smem:$0x3FB1]  }
0x2e: {  	s3 =	simm.s32 @!p0 $0x1082;
	s9 =	sld [smem:$0x3FB2]  }
0x2f: {  	lr =	sadd.s32 s0, s3;
	s0 =	sld [smem:$0x3FA9]  }
0x30: {  	s3 =	sld [smem:$0x3FAC]  }
0x31: {  	[smem:$0x3FB5] =	sst s10  }
0x32: {  	s10 =	sld [smem:$0x3FB3];
	_ =	sdelay $0x3  }
0x33: {  	p0 =	seq.s32 s10, $0x1;
	s10 =	sld [smem:$0x3FB5];
	_ =	sdelay $0x3  }
0x34: {  	[smem:$0x3FB5] =	sst s10  }
0x35: {  	s10 =	sld [smem:$0x3FB4];
	_ =	sdelay $0x3  }
0x36: {  	p1 =	seq.s32 s10, $0x1;
	s10 =	sld [smem:$0x3FB5];
	_ =	sdelay $0x3  }
0x37: {  	[smem:$0x3FB5] =	sst s10  }
0x38: {  	s10 =	sld [smem:$0x3FB6]  }
0x39: {  	_ = 	snop;
	(pc) =	sbr.ind lr, $3  }
0x3a: {  	_ = 	snop  }
0x3b: {  	_ = 	snop  }
0x3c: {  	p2 =	seq.s32 s10, $0x1;
	s10 =	sld [smem:$0x3FB5]  }
0x3d: {  	_ =	shalt  }
0x3e: {  	_ =	shalt  }
0x3f: {  	_ =	shalt  }
0x40: {  	_ =	shalt  }
0x41: {  	_ =	shalt  }
0x42: {  	_ =	shalt  }
0x43: {  	_ =	shalt  }
0x44: {  	_ =	shalt  }
0x45: {  	_ =	shalt  }
0x46: {  	_ =	shalt  }
0x47: {  	_ =	shalt  }
0x48: {  	_ =	shalt  }
0x49: {  	_ =	shalt  }
0x4a: {  	_ =	shalt  }
0x4b: {  	_ =	shalt  }
0x4c: {  	_ =	shalt  }
0x4d: {  	_ =	shalt  }
0x4e: {  	_ =	shalt  }
0x4f: {  	_ =	shalt  }
0x50: {  	_ =	shalt  }
0x51: {  	_ =	shalt  }
0x52: {  	_ =	shalt  }
0x53: {  	_ =	shalt  }
0x54: {  	_ =	shalt  }
0x55: {  	_ =	shalt  }
0x56: {  	_ =	shalt  }
0x57: {  	_ =	shalt  }
0x58: {  	_ =	shalt  }
0x59: {  	_ =	shalt  }
0x5a: {  	_ =	shalt  }
0x5b: {  	_ =	shalt  }
0x5c: {  	_ =	shalt  }
0x5d: {  	_ =	shalt  }
0x5e: {  	_ =	shalt  }
0x5f: {  	_ =	shalt  }
0x60: {  	_ =	shalt  }
0x61: {  	_ =	shalt  }
0x62: {  	_ =	shalt  }
0x63: {  	_ =	shalt  }
0x64: {  	_ =	shalt  }
0x65: {  	_ =	shalt  }
0x66: {  	_ =	shalt  }
0x67: {  	_ =	shalt  }
0x68: {  	_ =	shalt  }
0x69: {  	_ =	shalt  }
0x6a: {  	_ =	shalt  }
0x6b: {  	_ =	shalt  }
0x6c: {  	_ =	shalt  }
0x6d: {  	_ =	shalt  }
0x6e: {  	_ =	shalt  }
0x6f: {  	_ =	shalt  }
0x70: {  	_ =	shalt  }
0x71: {  	_ =	shalt  }
0x72: {  	_ =	shalt  }
0x73: {  	_ =	shalt  }
0x74: {  	_ =	shalt  }
0x75: {  	_ =	shalt  }
0x76: {  	_ =	shalt  }
0x77: {  	_ =	shalt  }
0x78: {  	_ =	shalt  }
0x79: {  	_ =	shalt  }
0x7a: {  	_ =	shalt  }
0x7b: {  	_ =	shalt  }
0x7c: {  	_ =	shalt  }
0x7d: {  	_ =	shalt  }
0x7e: {  	_ =	shalt  }
0x7f: {  	_ =	shalt  }
0x80: {  	_ =	shalt  }
0x81: {  	_ =	shalt  }
0x82: {  	_ =	shalt  }
0x83: {  	_ =	shalt  }
0x84: {  	_ =	shalt  }
0x85: {  	_ =	shalt  }
0x86: {  	_ =	shalt  }
0x87: {  	_ =	shalt  }
.Lfunc_end0:
.L_simem_size_0:
called_computation_lowered:
.L_overlay_start_0:
0x88: {  	s2 =	sld [smem:$0x3FD9]  }
0x89: {  	s3 =	sld [smem:$0x3FFE];
	_ =	sdelay $0x1  }
0x8a: {  	s1 =	srdreg.scid  }
0x8b: {  	s0 =	sand.u32 $0x1, s1  }
0x8c: {  	s14 =	sshll.u32 s0, $0xA;
	s2 =	sadd.s32 s3, s2  }
0x8d: {  	s2 =	sadd.s32 s2, s14  }
0x8e: {  	[smem:$0x3FC1] =	sst s2  }
0x8f: {  	_ = 	snop  }
0x90: {  	s2 =	sld [smem:$0x3FD0];
	_ =	sdelay $0x2  }
0x91: {  	s15 =	simm.s32 $0xA;
	s4 =	simm.s32 $0x10  }
0x92: {  	[smem:s4], [sflag:s15] =	dma.local [hbm:s2], $0x1  }
0x93: {  	_ =	swait.eq [sflag:s15], $0x1  }
0x94: {  	[sflag:s15] =	ssyncset.done $0x0  }
0x95: {  	[sflag:s15] =	ssyncadd.s32 $0xFFFFFFFF  }
0x96: {  	s16 =	sld [smem:$0x10];
	(tm) =	ssettm $0x1  }
0x97: {  	s17 =	sld [smem:$0x3FFB];
	_ =	sdelay $0x3  }
0x98: {  	_ =	strace s17  }
0x99: {  	s3 =	sld [smem:$0x3FFC];
	_ =	sdelay $0x3  }
0x9a: {  	_ =	strace s3  }
0x9b: {  	s3 =	sld [smem:$0x3FFD];
	_ =	sdelay $0x3  }
0x9c: {  	_ =	strace s3  }
0x9d: {  	_ =	strace $0x8FFFFFFF  }
0x9e: {  	s18 =	sld [smem:$0x3FDB];
	_ =	sdelay $0x1  }
0x9f: {  	s19 =	simm.s32 $_scs_section_size  }
0xa0: {  	s5 =	simm.s32 $_size__tile_overlayer_lowered;
	s6 =	simm.s32 $_tile_overlayer_lowered  }
0xa1: {  	s22 =	simm.s32 $0x1BFF;
	s21 =	sshll.u32 s6, $0x1;
	s3 =	sadd.s32 s19, s18  }
0xa2: {  	s7 =	simm.s32 $0x0;
	s20 =	sshll.u32 s5, $0x1;
	s5 =	sadd.s32 s21, s3  }
0xa3: {  	[timem:s7], [sflag:s22] =	dma.local [hbm:s5], s20  }
0xa4: {  	_ =	swait.ge [sflag:s22], s20  }
0xa5: {  	s4 =	ssub.s32 $0x0, s20;
	[sflag:s22] =	ssyncset.done $0x0  }
0xa6: {  	[sflag:s22] =	ssyncadd.s32 s4;
	_ =	sdelay $0x1  }
0xa7: {  	s23 =	simm.s32 $0x1B8B  }
0xa8: {  	_ =	swait.ge [sflag:s23], $0x1  }
0xa9: {  	[sflag:s23] =	ssyncset.done $0x0  }
0xaa: {  	s25 =	simm.s32 $0x1B8E;
	s24 =	sld [smem:$0x3FFE];
	[sflag:s23] =	ssyncadd.s32 $0xFFFFFFFF  }
0xab: {  	s26 =	simm.s32 $execute0_lowered;
	[smem:$0x3FD2] =	sst s25  }
0xac: {  	s5 =	sshll.u32 s26, $0x1;
	_ =	strace $0x80000046;
	[dreg:$0x1] =	wrdreg $0xFFFFFFFF  }
0xad: {  	s28 =	simm.s32 $_size_execute0_lowered;
	s3 =	sadd.s32 s3, s5;
	[dreg:$0x0] =	wrdreg $0x0  }
0xae: {  	s5 =	sshll.u32 s28, $0x1;
	[dreg:$0x2] =	wrdreg s3  }
0xaf: {  	[dreg:$0x3] =	wrdreg s5  }
0xb0: {  	[dreg:$0x4] =	wrdreg $0xC0  }
0xb1: {  	_ =	task [dreg:s7], $0x5FFFF  }
0xb2: {  	[dreg:$0x1] =	wrdreg $0xFFFFFFFF  }
0xb3: {  	[dreg:$0x0] =	wrdreg $0x60  }
0xb4: {  	[dreg:$0x2] =	wrdreg s24  }
0xb5: {  	[dreg:$0x3] =	wrdreg s16  }
0xb6: {  	[dreg:$0x4] =	wrdreg $0x4000  }
0xb7: {  	[dreg:$0x5] =	wrdreg $0x9  }
0xb8: {  	_ =	task.clear_ibuf [dreg:s7], $0x6FFFF;
	_ =	strace $0x90000046  }
0xb9: {  	s29 =	simm.s32 $0x9;
	_ =	strace $0x80000048  }
0xba: {  	_ =	swait.ge [sflag:s29], $0x1  }
0xbb: {  	[sflag:s29] =	ssyncadd.s32 $0xFFFFFFFF  }
0xbc: {  	_ =	strace $0x90000048  }
0xbd: {  	_ =	sfence  }
0xbe: {  	s30 =	sld [smem:$0x0];
	_ =	sdelay $0x2  }
0xbf: {  	s31 =	sshll.u32 s1, $0xD;
	s1 =	sshrl.u32 s1, $0x2  }
0xc0: {  	s3 =	sand.u32 $0x4000, s31;
	s1 =	sadd.s32 s1, s30  }
0xc1: {  	s0 =	sor.u32 s3, s0;
	s1 =	sshll.u32 s1, $0x11  }
0xc2: {  	s0 =	sor.u32 s1, s0  }
0xc3: {  	s0 =	sadd.s32 $0x8F2B, s0  }
0xc4: {  	[sflag:s0] =	ssyncadd.remote.s32 $0x1  }
0xc5: {  	_ =	sfence.sel $0xFFFF  }
0xc6: {  	[dreg:$0x0] =	wrdreg $0xFFFFFFFF;
	(pc) =	sbr.abs _section_cstart, $3  }
0xc7: {  	[dreg:$0x1] =	wrdreg $0xFFFFFFFF  }
0xc8: {  	_ =	task.clear_ibuf [dreg:s7], $0x2FFFF;
	_ =	strace $0x9FFFFFFF  }
0xc9: {  	(tm) =	ssettm $0x7FFFFFFF  }
tec
execute0_lowered:
.L_overlay_start_1:
0x0: {  	(tag) =	ssettag $0x1  }
0x1: {  	s4 =	rddreg [dreg:$0x0]  }
0x2: {  	s7 =	rddreg [dreg:$0x1]  }
0x3: {  	s1 =	rddreg [dreg:$0x2]  }
0x4: {  	s0 =	rddreg [dreg:$0x3];
	s3 =	simm.s32 $0x0;
	s5 =	srdreg.scid  }
0x5: {  	s2 =	stileid.u32;
	s13 =	simm.s32 $0x1;
	s14 =	simm.s32 $0x80  }
0x6: {  	s15 =	simm.s32 $0x100;
	s18 =	simm.s32 $0x20;
	s19 =	simm.s32 $0x10  }
0x7: {  	s20 =	simm.s32 $0x0;
	[smem:$0x7FF] =	sst s3;
	s8 =	smul.u32 $0xA00, s2  }
0x8: {  	s5 =	sand.u32 $0x1, s5;
	s4 =	sadd.s32 $0x3600, s4;
	s10 =	smul.u32 $0x500, s2  }
0x9: {  	s12 =	smul.u32 $0x2780, s2;
	s16 =	sshll.u32 s2, $0x6;
	_ =	strace $0x80000047  }
0xa: {  	s6 =	ssub.s32 $0x2, s5;
	s28 =	sshll.u32 s5, $0x4;
	s11 =	smul.u32 $0x27800, s5  }
0xb: {  	s5 =	sshll.u32 s5, $0x7;
	s16 =	sor.u32 $0x1C02, s16;
	s9 =	sshrl.u32 s6, $0x1  }
0xc: {  	s8 =	sshrl.u32 s8, $0x2;
	s10 =	sor.u32 s5, s10;
	s9 =	ssub.s32 s6, s9  }
0xd: {  	s6 =	sor.u32 s2, s28;
	s5 =	sadd.s32 s8, s1;
	s29 =	sshrl.u32 s10, $0x3  }
0xe: {  	s30 =	sadd.s32 s12, s11;
	s12 =	simm.s32 $0x2;
	s6 =	smul.u32 $0x4F0, s6  }
0xf: {  	s7 =	sadd.s32 s7, s29;
	s11 =	sadd.s32 $0x80, s30;
	s8 =	smax.u32 s9, $0x1  }
0x10: {  	s9 =	sadd.s32 $0x100, s30;
	s17 =	sshrl.u32 s5, $0x3;
	s31 =	sshrl.u32 s11, $0x3  }
0x11: {  	v0 =	vimm.f32 $1.000000000e+00;
	v1 =	vimm.f32 $0.0e+00;
	s11 =	simm.s32 $0x180;
	s6 =	sadd.s32 s4, s6;
	s10 =	sadd.s32 s31, s4  }
.LBB2_1:
0x12: {  	[tilespmem:$0x100] =	vst v0  }
0x13: {  	[tilespmem:$0x110] =	vst v0  }
0x14: {  	[tilespmem:$0x120] =	vst v0  }
0x15: {  	[tilespmem:$0x130] =	vst v0  }
0x16: {  	[tilespmem:$0x140] =	vst v0  }
0x17: {  	[tilespmem:$0x150] =	vst v0  }
0x18: {  	[tilespmem:$0x160] =	vst v0  }
0x19: {  	[tilespmem:$0x170] =	vst v0  }
0x1a: {  	[tilespmem:$0x180] =	vst v1  }
0x1b: {  	[tilespmem:$0x190] =	vst v1  }
0x1c: {  	[tilespmem:$0x1A0] =	vst v1  }
0x1d: {  	[tilespmem:$0x1B0] =	vst v1  }
0x1e: {  	[tilespmem:$0x1C0] =	vst v1  }
0x1f: {  	[tilespmem:$0x1D0] =	vst v1  }
0x20: {  	[tilespmem:$0x1E0] =	vst v1  }
0x21: {  	[tilespmem:$0x1F0] =	vst v1  }
0x22: {  	[tilespmem:$0x200] =	vst v1  }
0x23: {  	[tilespmem:$0x210] =	vst v1  }
0x24: {  	[tilespmem:$0x220] =	vst v1  }
0x25: {  	[tilespmem:$0x230] =	vst v1  }
0x26: {  	[tilespmem:$0x240] =	vst v1  }
0x27: {  	[tilespmem:$0x250] =	vst v1  }
0x28: {  	[tilespmem:$0x260] =	vst v1  }
0x29: {  	[tilespmem:$0x270] =	vst v1  }
0x2a: {  	[tilespmem:$0x280] =	vst v1  }
0x2b: {  	[tilespmem:$0x290] =	vst v1  }
0x2c: {  	[tilespmem:$0x2A0] =	vst v1  }
0x2d: {  	[tilespmem:$0x2B0] =	vst v1  }
0x2e: {  	[tilespmem:$0x2C0] =	vst v1  }
0x2f: {  	[tilespmem:$0x2D0] =	vst v1  }
0x30: {  	[tilespmem:$0x2E0] =	vst v1  }
0x31: {  	[tilespmem:$0x2F0] =	vst v1  }
0x32: {  	[tilespmem:$0x300] =	vst v1  }
0x33: {  	[tilespmem:$0x310] =	vst v1  }
0x34: {  	[tilespmem:$0x320] =	vst v1  }
0x35: {  	[tilespmem:$0x330] =	vst v1  }
0x36: {  	[tilespmem:$0x340] =	vst v1  }
0x37: {  	[tilespmem:$0x350] =	vst v1  }
0x38: {  	[tilespmem:$0x360] =	vst v1  }
0x39: {  	[tilespmem:$0x370] =	vst v1  }
0x3a: {  	[tilespmem:$0x380] =	vst v1  }
0x3b: {  	[tilespmem:$0x390] =	vst v1  }
0x3c: {  	[tilespmem:$0x3A0] =	vst v1  }
0x3d: {  	[tilespmem:$0x3B0] =	vst v1  }
0x3e: {  	[tilespmem:$0x3C0] =	vst v1  }
0x3f: {  	[tilespmem:$0x3D0] =	vst v1  }
0x40: {  	[tilespmem:$0x3E0] =	vst v1  }
0x41: {  	[tilespmem:$0x3F0] =	vst v1  }
0x42: {  	[spmem:s5] =	stream.linear.scatter [tilespmem:s11], [sflag:$0x2], $0x280, $0x38;
	[tilespmem:$0x680] =	vst v63  }
0x43: {  	_ =	swait.ge [sflag:s12], $0x280  }
0x44: {  	[sflag:s12] =	ssyncset.done $0x0  }
0x45: {  	[sflag:s12] =	ssyncadd.s32 $0xFFFFFD80  }
0x46: {  	[bflag:$0x0] =	sbarrier.arrive $0xFFFF  }
0x47: {  	[tilespmem:s3], [sflag:$0x1] =	stream.linear.gather [hbm4b:s6+s3], $0x80, $0x38;
	[tilespmem:$0x680] =	vst v63  }
0x48: {  	_ =	swait.ge [sflag:s13], $0x80  }
0x49: {  	[sflag:s13] =	ssyncset.done $0x0  }
0x4a: {  	s21 =	sadd.s32 $0x0, s10;
	[sflag:s13] =	ssyncadd.s32 $0xFFFFFF80  }
0x4b: {  	[tilespmem:s14], [sflag:$0x1] =	stream.linear.gather [hbm4b:s21+s3], $0x80, $0x38;
	[tilespmem:$0x680] =	vst v63  }
0x4c: {  	_ = 	snop  }
0x4d: {  	[spmem:s1] =	stream.indirect.scatter.add.f32 [tilespmem:s15], [sflag:$0x2], $0x1, s3, s14, $0xb8;
	[tilespmem:$0x680] =	vst v63  }
0x4e: {  	_ =	swait.ge [sflag:s12], $0x80  }
0x4f: {  	[sflag:s12] =	ssyncset.done $0x0  }
0x50: {  	[sflag:s12] =	ssyncadd.s32 $0xFFFFFF80  }
0x51: {  	_ =	swait.ge [sflag:s13], $0x80  }
0x52: {  	s31 =	sshrl.u32 s9, $0x3;
	[sflag:s13] =	ssyncset.done $0x0  }
0x53: {  	s21 =	sadd.s32 s4, s31;
	[sflag:s13] =	ssyncadd.s32 $0xFFFFFF80  }
0x54: {  	[tilespmem:s3], [sflag:$0x1] =	stream.linear.gather [hbm4b:s21+s3], $0x80, $0x38;
	[tilespmem:$0x680] =	vst v63  }
0x55: {  	_ = 	snop  }
0x56: {  	[spmem:s1] =	stream.indirect.scatter.add.f32 [tilespmem:s15], [sflag:$0x2], $0x1, s14, s14, $0xb8;
	[tilespmem:$0x680] =	vst v63  }
0x57: {  	_ =	swait.ge [sflag:s12], $0x80  }
0x58: {  	s22 =	smov.u32 s9;
	s21 =	simm.s32 $0x20;
	[sflag:s12] =	ssyncset.done $0x0  }
.LBB2_2:
0x59: {  	p0 =	sne.s32 s21, $0x4C0;
	[sflag:s12] =	ssyncadd.s32 $0xFFFFFF80;
	s22 =	sadd.s32 $0x100, s22  }
0x5a: {  	s23 =	smov.u32 s21;
	s21 =	sadd.s32 $0x20, s21  }
0x5b: {  	_ =	swait.ge [sflag:s13], $0x80  }
0x5c: {  	[sflag:s13] =	ssyncset.done $0x0  }
0x5d: {  	s23 =	sadd.s32 s23, s10;
	[sflag:s13] =	ssyncadd.s32 $0xFFFFFF80  }
0x5e: {  	[tilespmem:s14], [sflag:$0x1] =	stream.linear.gather [hbm4b:s23+s3], $0x80, $0x38;
	[tilespmem:$0x680] =	vst v63  }
0x5f: {  	_ = 	snop  }
0x60: {  	[spmem:s1] =	stream.indirect.scatter.add.f32 [tilespmem:s15], [sflag:$0x2], $0x1, s3, s14, $0xb8;
	[tilespmem:$0x680] =	vst v63  }
0x61: {  	_ =	swait.ge [sflag:s12], $0x80  }
0x62: {  	[sflag:s12] =	ssyncset.done $0x0  }
0x63: {  	[sflag:s12] =	ssyncadd.s32 $0xFFFFFF80  }
0x64: {  	_ =	swait.ge [sflag:s13], $0x80  }
0x65: {  	s23 =	sshrl.u32 s22, $0x3;
	[sflag:s13] =	ssyncset.done $0x0  }
0x66: {  	s23 =	sadd.s32 s4, s23;
	[sflag:s13] =	ssyncadd.s32 $0xFFFFFF80  }
0x67: {  	[tilespmem:s3], [sflag:$0x1] =	stream.linear.gather [hbm4b:s23+s3], $0x80, $0x38;
	[tilespmem:$0x680] =	vst v63  }
.Ltmp0:
0x68: {  	_ = 	snop;
	(pc) =	sbr.rel @p0 .LBB2_2-.Ltmp0, $4  }
0x69: {  	_ = 	snop  }
0x6a: {  	[spmem:s1] =	stream.indirect.scatter.add.f32 [tilespmem:s15], [sflag:$0x2], $0x1, s14, s14, $0xb8;
	[tilespmem:$0x680] =	vst v63  }
0x6b: {  	_ =	swait.ge [sflag:s12], $0x80  }
0x6c: {  	[sflag:s12] =	ssyncset.done $0x0  }
0x6d: {  	[sflag:s12] =	ssyncadd.s32 $0xFFFFFF80  }
0x6e: {  	_ =	swait.ge [sflag:s13], $0x80  }
0x6f: {  	[sflag:s13] =	ssyncset.done $0x0  }
0x70: {  	[sflag:s13] =	ssyncadd.s32 $0xFFFFFF80  }
0x71: {  	[spmem:s1] =	stream.indirect.scatter.add.f32 [tilespmem:s15], [sflag:$0x2], $0x1, s3, s14, $0xb8;
	[tilespmem:$0x680] =	vst v63  }
0x72: {  	_ =	swait.ge [sflag:s12], $0x80  }
0x73: {  	s20 =	sadd.s32 $0x1, s20;
	[sflag:s12] =	ssyncset.done $0x0  }
0x74: {  	p0 =	sne.s32 s20, s8;
	[sflag:s12] =	ssyncadd.s32 $0xFFFFFF80  }
.Ltmp1:
0x75: {  	[bflag:$0x0] =	sbarrier.arrive $0xFFFF;
	(pc) =	sbr.rel @p0 .LBB2_1-.Ltmp1, $4  }
0x76: {  	[hbm:s7@s18], [sflag:s16] =	dma.strided [spmem:s17@s19], $0x50, s13, $0x10   }
0x77: {  	_ =	swait.ge [sflag:s12], $0x50  }
0x78: {  	[sflag:s12] =	ssyncset.done $0x0  }
0x79: {  	[sflag:s12] =	ssyncadd.s32 $0xFFFFFFB0  }
0x7a: {  	_ =	sfence.sel $0x180000  }
0x7b: {  	[bflag:$0x0] =	sbarrier.arrive $0xFFFF  }
0x7c: {  	p0 =	sne.s32 s2, $0x0;
	_ =	strace $0x90000047  }
0x7d: {  	s0 =	sadd.s32 @!p0 $0x100000, s0;
	[bflag:$0x2] =	sbarrier.arrive $0xFFFF  }
0x7e: {  	[sflag:s0] =	ssyncadd.tile.s32 @!p0 $0x1;
	_ =	shalt  }
.Lfunc_end2:
_tile_overlayer_lowered:
.L_overlay_start_2:
0x7f: {  	(tag) =	ssettag $0x2  }
0x80: {  	s0 =	rddreg [dreg:$0x0];
	s2 =	stileid.u32  }
0x81: {  	s1 =	rddreg [dreg:$0x1];
	p0 =	sne.s32 s2, $0x0  }
0x82: {  	s3 =	rddreg [dreg:$0x2];
	[bflag:$0x3] =	sbarrier.arrive $0xFFFF;
	s2 =	simm.s32 @!p0 $0x1C02  }
0x83: {  	[timem:s3], [sflag:s2] =	dma.local @!p0 [hbm:s0], s1  }
0x84: {  	s0 =	simm.s32 @!p0 $0x2  }
0x85: {  	_ =	swait.ge @!p0 [sflag:s0], s1  }
0x86: {  	s1 =	ssub.s32 @!p0 $0x0, s1;
	[sflag:s0] =	ssyncset.done @!p0 $0x0  }
0x87: {  	[sflag:s0] =	ssyncadd.s32 @!p0 s1  }
0x88: {  	[bflag:$0x3] =	sbarrier.arrive $0xFFFF  }
0x89: {  	_ =	shalt  }

</sc_bundles>
